<compile_context>
chip_gen: v7x
topology: tpu7x:2x2x1
jax: 0.10.2.dev20260603
libtpu: 0.0.44.dev20260713+nightly
codegen_flags: <defaults>
</compile_context>

<pallas_src>
import functools

import jax
import jax.numpy as jnp
from jax import lax
from jax.experimental import pallas as pl
from jax.experimental.pallas import tpu as pltpu
from jax.experimental.pallas import tpu_sc as plsc

VOCAB = 100000
EMBED_DIM = 128
BATCH = 4096
SEQ_LEN = 50

_info = plsc.get_sparse_core_info()
_NC, _NS = _info.num_cores, _info.num_subcores
_NW = _NC * _NS
_TOTAL = BATCH * SEQ_LEN
_CHUNK = 64
_PER_W = _TOTAL // _NW
_N_CHUNKS = _PER_W // _CHUNK

_NBUF = 10
_N_GROUPS = _N_CHUNKS // _NBUF

_mesh = plsc.VectorSubcoreMesh(core_axis_name="c", subcore_axis_name="s")


@functools.partial(
    pl.kernel,
    out_type=jax.ShapeDtypeStruct((_TOTAL, EMBED_DIM), jnp.float32),
    mesh=_mesh,
    scratch_types=[
        pltpu.VMEM((_N_CHUNKS, _CHUNK), jnp.int32),
        [pltpu.VMEM((_CHUNK, EMBED_DIM), jnp.float32) for _ in range(_NBUF)],
        [pltpu.SemaphoreType.DMA for _ in range(_NBUF)],
        [pltpu.SemaphoreType.DMA for _ in range(_NBUF)],
    ],
)
def _embed_gather(idx_hbm, table_hbm, out_hbm, idx_v, bufs, gsems, osems):
    wid = lax.axis_index("s") * _NC + lax.axis_index("c")
    base = wid * _PER_W
    pltpu.sync_copy(idx_hbm.at[wid], idx_v)

    def start_gather(j, b):
        pltpu.async_copy(table_hbm.at[idx_v.at[j]], bufs[b], gsems[b])

    def wait_gather(j, b):
        pltpu.make_async_copy(table_hbm.at[idx_v.at[j]], bufs[b], gsems[b]).wait()

    def out_slice(j):
        return out_hbm.at[pl.ds(base + j * _CHUNK, _CHUNK)]

    def start_out(j, b):
        pltpu.async_copy(bufs[b], out_slice(j), osems[b])

    def wait_out(j, b):
        pltpu.make_async_copy(bufs[b], out_slice(j), osems[b]).wait()

    for b in range(_NBUF):
        start_gather(b, b)

    @pl.loop(0, _N_GROUPS - 1)
    def _grp(g):
        j0 = g * _NBUF
        for b in range(_NBUF):
            wait_gather(j0 + b, b)
            start_out(j0 + b, b)
        for b in range(_NBUF):
            wait_out(j0 + b, b)
            start_gather(j0 + b + _NBUF, b)

    j0 = (_N_GROUPS - 1) * _NBUF
    for b in range(_NBUF):
        wait_gather(j0 + b, b)
        start_out(j0 + b, b)
    for b in range(_NBUF):
        wait_out(j0 + b, b)


def kernel(numericalized_tokens, embedding_table):
    idx = numericalized_tokens.astype(jnp.int32).T.reshape(_NW, _N_CHUNKS, _CHUNK)
    out = _embed_gather(idx, embedding_table)
    return out.reshape(SEQ_LEN, BATCH, EMBED_DIM).transpose(1, 0, 2)

# --- scband reference (transcript-rebuilt; emitter-appended) ---
"""Pipeline reference for scband-trainable-word-embedder-7335804142164 (READ-ONLY COPY).

The authoritative reference and input builder live on the scoring server;
editing this copy changes nothing except your own understanding.
"""

import jax, jax.numpy as jnp
import numpy as np

VOCAB = 100000
EMBED_DIM = 128
BATCH = 4096
SEQ_LEN = 50


def setup_inputs(seed: int = 0) -> dict:
    key = jax.random.key(seed)
    k_idx, k_tab = jax.random.split(key)
    numericalized_tokens = jax.random.randint(
        k_idx, (BATCH, SEQ_LEN), 0, VOCAB, dtype=jnp.int64
    ) if jax.config.jax_enable_x64 else jax.random.randint(
        k_idx, (BATCH, SEQ_LEN), 0, VOCAB, dtype=jnp.int32
    )
    embedding_table = jax.random.normal(k_tab, (VOCAB, EMBED_DIM), dtype=jnp.float32)
    return {
        "numericalized_tokens": numericalized_tokens,
        "embedding_table": embedding_table,
    }


def reference(numericalized_tokens, embedding_table):
    # Faithful core of TrainableWordEmbedder.forward:
    # tokens are already numericalized/padded to [B, L] int ids;
    # forward is a trainable embedding lookup: self.embedding(numericalized_tokens)
    embedding = jnp.take(embedding_table, numericalized_tokens, axis=0)
    return embedding

if __name__ == "__main__":
    import jax
    _d = setup_inputs()
    print(jax.jit(kernel)(*tuple(_d.values())))

</pallas_src>

<mosaic_0001>
#map = affine_map<(d0, d1) -> (0, 0, 0)>
#map1 = affine_map<(d0, d1) -> (0, 0)>
module attributes {stable_mosaic.version = 14 : i64} {
  func.func @_embed_gather(%arg0: i32, %arg1: i32, %arg2: memref<32x100x64xi32, #tpu.memory_space<hbm>>, %arg3: memref<100000x128xf32, #tpu.memory_space<hbm>>, %arg4: memref<204800x128xf32, #tpu.memory_space<hbm>>, %arg5: memref<100x64xi32, #tpu.memory_space<vmem>>, %arg6: memref<64x128xf32, #tpu.memory_space<vmem>>, %arg7: memref<64x128xf32, #tpu.memory_space<vmem>>, %arg8: memref<64x128xf32, #tpu.memory_space<vmem>>, %arg9: memref<64x128xf32, #tpu.memory_space<vmem>>, %arg10: memref<64x128xf32, #tpu.memory_space<vmem>>, %arg11: memref<64x128xf32, #tpu.memory_space<vmem>>, %arg12: memref<64x128xf32, #tpu.memory_space<vmem>>, %arg13: memref<64x128xf32, #tpu.memory_space<vmem>>, %arg14: memref<64x128xf32, #tpu.memory_space<vmem>>, %arg15: memref<64x128xf32, #tpu.memory_space<vmem>>, %arg16: memref<!tpu.dma_semaphore, #tpu.memory_space<semaphore_mem>>, %arg17: memref<!tpu.dma_semaphore, #tpu.memory_space<semaphore_mem>>, %arg18: memref<!tpu.dma_semaphore, #tpu.memory_space<semaphore_mem>>, %arg19: memref<!tpu.dma_semaphore, #tpu.memory_space<semaphore_mem>>, %arg20: memref<!tpu.dma_semaphore, #tpu.memory_space<semaphore_mem>>, %arg21: memref<!tpu.dma_semaphore, #tpu.memory_space<semaphore_mem>>, %arg22: memref<!tpu.dma_semaphore, #tpu.memory_space<semaphore_mem>>, %arg23: memref<!tpu.dma_semaphore, #tpu.memory_space<semaphore_mem>>, %arg24: memref<!tpu.dma_semaphore, #tpu.memory_space<semaphore_mem>>, %arg25: memref<!tpu.dma_semaphore, #tpu.memory_space<semaphore_mem>>, %arg26: memref<!tpu.dma_semaphore, #tpu.memory_space<semaphore_mem>>, %arg27: memref<!tpu.dma_semaphore, #tpu.memory_space<semaphore_mem>>, %arg28: memref<!tpu.dma_semaphore, #tpu.memory_space<semaphore_mem>>, %arg29: memref<!tpu.dma_semaphore, #tpu.memory_space<semaphore_mem>>, %arg30: memref<!tpu.dma_semaphore, #tpu.memory_space<semaphore_mem>>, %arg31: memref<!tpu.dma_semaphore, #tpu.memory_space<semaphore_mem>>, %arg32: memref<!tpu.dma_semaphore, #tpu.memory_space<semaphore_mem>>, %arg33: memref<!tpu.dma_semaphore, #tpu.memory_space<semaphore_mem>>, %arg34: memref<!tpu.dma_semaphore, #tpu.memory_space<semaphore_mem>>, %arg35: memref<!tpu.dma_semaphore, #tpu.memory_space<semaphore_mem>>) attributes {dimension_semantics = [#tpu.dimension_semantics<core_parallel>, #tpu.dimension_semantics<subcore_parallel>], iteration_bounds = array<i64: 2, 16>, scalar_prefetch = 0 : i64, scratch_operands = 31 : i64, tpu.core_type = #tpu.core_type<sc_vector_subcore>, window_params = [{transform_indices = #map}, {transform_indices = #map1}, {transform_indices = #map1}]} {
    %mul3A = arith.constant 2 : i32
    %mul3A_0 = arith.muli %arg1, %mul3A : i32
    %add3A = arith.addi %mul3A_0, %arg0 : i32
    %mul3A_1 = arith.constant 6400 : i32
    %mul3A_2 = arith.muli %add3A, %mul3A_1 : i32
    "tpu.region"() ({
      %run_scoped3A = tpu.sem_alloc : memref<!tpu.dma_semaphore, #tpu.memory_space<semaphore_mem>>
      %dma_start3A_265 = arith.constant 0 : i32
      %dma_start3A_266 = arith.constant 0 : i32
      %dma_start3A_267 = tpu.memref_slice %arg2[%add3A, %dma_start3A_265, %dma_start3A_266] : memref<32x100x64xi32, #tpu.memory_space<hbm>> -> memref<1x100x64xi32, #tpu.memory_space<hbm>>
      %dma_start3A_268 = tpu.memref_squeeze %dma_start3A_267 : memref<1x100x64xi32, #tpu.memory_space<hbm>> -> memref<100x64xi32, #tpu.memory_space<hbm>>
      %dma_start3A_269 = arith.constant 0 : i32
      %dma_start3A_270 = arith.constant 0 : i32
      %dma_start3A_271 = tpu.memref_slice %arg2[%add3A, %dma_start3A_269, %dma_start3A_270] : memref<32x100x64xi32, #tpu.memory_space<hbm>> -> memref<1x100x64xi32, #tpu.memory_space<hbm>>
      %dma_start3A_272 = tpu.memref_squeeze %dma_start3A_271 : memref<1x100x64xi32, #tpu.memory_space<hbm>> -> memref<100x64xi32, #tpu.memory_space<hbm>>
      tpu.enqueue_dma source(%dma_start3A_272 : memref<100x64xi32, #tpu.memory_space<hbm>>) target(%arg5 : memref<100x64xi32, #tpu.memory_space<vmem>>) target_semaphore(%run_scoped3A : memref<!tpu.dma_semaphore, #tpu.memory_space<semaphore_mem>>)
      %dma_wait3A_273 = arith.constant 0 : i32
      %dma_wait3A_274 = arith.constant 0 : i32
      %dma_wait3A_275 = tpu.memref_slice %arg2[%add3A, %dma_wait3A_273, %dma_wait3A_274] : memref<32x100x64xi32, #tpu.memory_space<hbm>> -> memref<1x100x64xi32, #tpu.memory_space<hbm>>
      %dma_wait3A_276 = tpu.memref_squeeze %dma_wait3A_275 : memref<1x100x64xi32, #tpu.memory_space<hbm>> -> memref<100x64xi32, #tpu.memory_space<hbm>>
      %dma_wait3A_277 = arith.constant 0 : i32
      %dma_wait3A_278 = arith.constant 0 : i32
      %dma_wait3A_279 = tpu.memref_slice %arg2[%add3A, %dma_wait3A_277, %dma_wait3A_278] : memref<32x100x64xi32, #tpu.memory_space<hbm>> -> memref<1x100x64xi32, #tpu.memory_space<hbm>>
      %dma_wait3A_280 = tpu.memref_squeeze %dma_wait3A_279 : memref<1x100x64xi32, #tpu.memory_space<hbm>> -> memref<100x64xi32, #tpu.memory_space<hbm>>
      tpu.wait_dma2 semaphore(%run_scoped3A : memref<!tpu.dma_semaphore, #tpu.memory_space<semaphore_mem>>) src(%dma_wait3A_280 : memref<100x64xi32, #tpu.memory_space<hbm>>) dst(%arg5 : memref<100x64xi32, #tpu.memory_space<vmem>>)
      tpu.yield
    }) : () -> ()
    %dma_start3A = arith.constant 0 : i32
    %dma_start3A_3 = arith.constant 0 : i32
    %dma_start3A_4 = tpu.memref_slice %arg5[%dma_start3A, %dma_start3A_3] : memref<100x64xi32, #tpu.memory_space<vmem>> -> memref<1x64xi32, #tpu.memory_space<vmem>>
    %dma_start3A_5 = tpu.memref_squeeze %dma_start3A_4 : memref<1x64xi32, #tpu.memory_space<vmem>> -> memref<64xi32, #tpu.memory_space<vmem>>
    %dma_start3A_6 = arith.constant 0 : i32
    %dma_start3A_7 = arith.constant 0 : i32
    %dma_start3A_8 = tpu.memref_slice %arg3[%dma_start3A_6, %dma_start3A_7] : memref<100000x128xf32, #tpu.memory_space<hbm>> -> memref<100000x128xf32, #tpu.memory_space<hbm>>
    tpu.enqueue_indirect_dma source(%dma_start3A_8 : memref<100000x128xf32, #tpu.memory_space<hbm>>) target(%arg6 : memref<64x128xf32, #tpu.memory_space<vmem>>) offsets(%dma_start3A_5 : memref<64xi32, #tpu.memory_space<vmem>>) semaphore(%arg16 : memref<!tpu.dma_semaphore, #tpu.memory_space<semaphore_mem>>)
    %dma_start3A_9 = arith.constant 1 : i32
    %dma_start3A_10 = arith.constant 0 : i32
    %dma_start3A_11 = tpu.memref_slice %arg5[%dma_start3A_9, %dma_start3A_10] : memref<100x64xi32, #tpu.memory_space<vmem>> -> memref<1x64xi32, #tpu.memory_space<vmem>>
    %dma_start3A_12 = tpu.memref_squeeze %dma_start3A_11 : memref<1x64xi32, #tpu.memory_space<vmem>> -> memref<64xi32, #tpu.memory_space<vmem>>
    %dma_start3A_13 = arith.constant 0 : i32
    %dma_start3A_14 = arith.constant 0 : i32
    %dma_start3A_15 = tpu.memref_slice %arg3[%dma_start3A_13, %dma_start3A_14] : memref<100000x128xf32, #tpu.memory_space<hbm>> -> memref<100000x128xf32, #tpu.memory_space<hbm>>
    tpu.enqueue_indirect_dma source(%dma_start3A_15 : memref<100000x128xf32, #tpu.memory_space<hbm>>) target(%arg7 : memref<64x128xf32, #tpu.memory_space<vmem>>) offsets(%dma_start3A_12 : memref<64xi32, #tpu.memory_space<vmem>>) semaphore(%arg17 : memref<!tpu.dma_semaphore, #tpu.memory_space<semaphore_mem>>)
    %dma_start3A_16 = arith.constant 2 : i32
    %dma_start3A_17 = arith.constant 0 : i32
    %dma_start3A_18 = tpu.memref_slice %arg5[%dma_start3A_16, %dma_start3A_17] : memref<100x64xi32, #tpu.memory_space<vmem>> -> memref<1x64xi32, #tpu.memory_space<vmem>>
    %dma_start3A_19 = tpu.memref_squeeze %dma_start3A_18 : memref<1x64xi32, #tpu.memory_space<vmem>> -> memref<64xi32, #tpu.memory_space<vmem>>
    %dma_start3A_20 = arith.constant 0 : i32
    %dma_start3A_21 = arith.constant 0 : i32
    %dma_start3A_22 = tpu.memref_slice %arg3[%dma_start3A_20, %dma_start3A_21] : memref<100000x128xf32, #tpu.memory_space<hbm>> -> memref<100000x128xf32, #tpu.memory_space<hbm>>
    tpu.enqueue_indirect_dma source(%dma_start3A_22 : memref<100000x128xf32, #tpu.memory_space<hbm>>) target(%arg8 : memref<64x128xf32, #tpu.memory_space<vmem>>) offsets(%dma_start3A_19 : memref<64xi32, #tpu.memory_space<vmem>>) semaphore(%arg18 : memref<!tpu.dma_semaphore, #tpu.memory_space<semaphore_mem>>)
    %dma_start3A_23 = arith.constant 3 : i32
    %dma_start3A_24 = arith.constant 0 : i32
    %dma_start3A_25 = tpu.memref_slice %arg5[%dma_start3A_23, %dma_start3A_24] : memref<100x64xi32, #tpu.memory_space<vmem>> -> memref<1x64xi32, #tpu.memory_space<vmem>>
    %dma_start3A_26 = tpu.memref_squeeze %dma_start3A_25 : memref<1x64xi32, #tpu.memory_space<vmem>> -> memref<64xi32, #tpu.memory_space<vmem>>
    %dma_start3A_27 = arith.constant 0 : i32
    %dma_start3A_28 = arith.constant 0 : i32
    %dma_start3A_29 = tpu.memref_slice %arg3[%dma_start3A_27, %dma_start3A_28] : memref<100000x128xf32, #tpu.memory_space<hbm>> -> memref<100000x128xf32, #tpu.memory_space<hbm>>
    tpu.enqueue_indirect_dma source(%dma_start3A_29 : memref<100000x128xf32, #tpu.memory_space<hbm>>) target(%arg9 : memref<64x128xf32, #tpu.memory_space<vmem>>) offsets(%dma_start3A_26 : memref<64xi32, #tpu.memory_space<vmem>>) semaphore(%arg19 : memref<!tpu.dma_semaphore, #tpu.memory_space<semaphore_mem>>)
    %dma_start3A_30 = arith.constant 4 : i32
    %dma_start3A_31 = arith.constant 0 : i32
    %dma_start3A_32 = tpu.memref_slice %arg5[%dma_start3A_30, %dma_start3A_31] : memref<100x64xi32, #tpu.memory_space<vmem>> -> memref<1x64xi32, #tpu.memory_space<vmem>>
    %dma_start3A_33 = tpu.memref_squeeze %dma_start3A_32 : memref<1x64xi32, #tpu.memory_space<vmem>> -> memref<64xi32, #tpu.memory_space<vmem>>
    %dma_start3A_34 = arith.constant 0 : i32
    %dma_start3A_35 = arith.constant 0 : i32
    %dma_start3A_36 = tpu.memref_slice %arg3[%dma_start3A_34, %dma_start3A_35] : memref<100000x128xf32, #tpu.memory_space<hbm>> -> memref<100000x128xf32, #tpu.memory_space<hbm>>
    tpu.enqueue_indirect_dma source(%dma_start3A_36 : memref<100000x128xf32, #tpu.memory_space<hbm>>) target(%arg10 : memref<64x128xf32, #tpu.memory_space<vmem>>) offsets(%dma_start3A_33 : memref<64xi32, #tpu.memory_space<vmem>>) semaphore(%arg20 : memref<!tpu.dma_semaphore, #tpu.memory_space<semaphore_mem>>)
    %dma_start3A_37 = arith.constant 5 : i32
    %dma_start3A_38 = arith.constant 0 : i32
    %dma_start3A_39 = tpu.memref_slice %arg5[%dma_start3A_37, %dma_start3A_38] : memref<100x64xi32, #tpu.memory_space<vmem>> -> memref<1x64xi32, #tpu.memory_space<vmem>>
    %dma_start3A_40 = tpu.memref_squeeze %dma_start3A_39 : memref<1x64xi32, #tpu.memory_space<vmem>> -> memref<64xi32, #tpu.memory_space<vmem>>
    %dma_start3A_41 = arith.constant 0 : i32
    %dma_start3A_42 = arith.constant 0 : i32
    %dma_start3A_43 = tpu.memref_slice %arg3[%dma_start3A_41, %dma_start3A_42] : memref<100000x128xf32, #tpu.memory_space<hbm>> -> memref<100000x128xf32, #tpu.memory_space<hbm>>
    tpu.enqueue_indirect_dma source(%dma_start3A_43 : memref<100000x128xf32, #tpu.memory_space<hbm>>) target(%arg11 : memref<64x128xf32, #tpu.memory_space<vmem>>) offsets(%dma_start3A_40 : memref<64xi32, #tpu.memory_space<vmem>>) semaphore(%arg21 : memref<!tpu.dma_semaphore, #tpu.memory_space<semaphore_mem>>)
    %dma_start3A_44 = arith.constant 6 : i32
    %dma_start3A_45 = arith.constant 0 : i32
    %dma_start3A_46 = tpu.memref_slice %arg5[%dma_start3A_44, %dma_start3A_45] : memref<100x64xi32, #tpu.memory_space<vmem>> -> memref<1x64xi32, #tpu.memory_space<vmem>>
    %dma_start3A_47 = tpu.memref_squeeze %dma_start3A_46 : memref<1x64xi32, #tpu.memory_space<vmem>> -> memref<64xi32, #tpu.memory_space<vmem>>
    %dma_start3A_48 = arith.constant 0 : i32
    %dma_start3A_49 = arith.constant 0 : i32
    %dma_start3A_50 = tpu.memref_slice %arg3[%dma_start3A_48, %dma_start3A_49] : memref<100000x128xf32, #tpu.memory_space<hbm>> -> memref<100000x128xf32, #tpu.memory_space<hbm>>
    tpu.enqueue_indirect_dma source(%dma_start3A_50 : memref<100000x128xf32, #tpu.memory_space<hbm>>) target(%arg12 : memref<64x128xf32, #tpu.memory_space<vmem>>) offsets(%dma_start3A_47 : memref<64xi32, #tpu.memory_space<vmem>>) semaphore(%arg22 : memref<!tpu.dma_semaphore, #tpu.memory_space<semaphore_mem>>)
    %dma_start3A_51 = arith.constant 7 : i32
    %dma_start3A_52 = arith.constant 0 : i32
    %dma_start3A_53 = tpu.memref_slice %arg5[%dma_start3A_51, %dma_start3A_52] : memref<100x64xi32, #tpu.memory_space<vmem>> -> memref<1x64xi32, #tpu.memory_space<vmem>>
    %dma_start3A_54 = tpu.memref_squeeze %dma_start3A_53 : memref<1x64xi32, #tpu.memory_space<vmem>> -> memref<64xi32, #tpu.memory_space<vmem>>
    %dma_start3A_55 = arith.constant 0 : i32
    %dma_start3A_56 = arith.constant 0 : i32
    %dma_start3A_57 = tpu.memref_slice %arg3[%dma_start3A_55, %dma_start3A_56] : memref<100000x128xf32, #tpu.memory_space<hbm>> -> memref<100000x128xf32, #tpu.memory_space<hbm>>
    tpu.enqueue_indirect_dma source(%dma_start3A_57 : memref<100000x128xf32, #tpu.memory_space<hbm>>) target(%arg13 : memref<64x128xf32, #tpu.memory_space<vmem>>) offsets(%dma_start3A_54 : memref<64xi32, #tpu.memory_space<vmem>>) semaphore(%arg23 : memref<!tpu.dma_semaphore, #tpu.memory_space<semaphore_mem>>)
    %dma_start3A_58 = arith.constant 8 : i32
    %dma_start3A_59 = arith.constant 0 : i32
    %dma_start3A_60 = tpu.memref_slice %arg5[%dma_start3A_58, %dma_start3A_59] : memref<100x64xi32, #tpu.memory_space<vmem>> -> memref<1x64xi32, #tpu.memory_space<vmem>>
    %dma_start3A_61 = tpu.memref_squeeze %dma_start3A_60 : memref<1x64xi32, #tpu.memory_space<vmem>> -> memref<64xi32, #tpu.memory_space<vmem>>
    %dma_start3A_62 = arith.constant 0 : i32
    %dma_start3A_63 = arith.constant 0 : i32
    %dma_start3A_64 = tpu.memref_slice %arg3[%dma_start3A_62, %dma_start3A_63] : memref<100000x128xf32, #tpu.memory_space<hbm>> -> memref<100000x128xf32, #tpu.memory_space<hbm>>
    tpu.enqueue_indirect_dma source(%dma_start3A_64 : memref<100000x128xf32, #tpu.memory_space<hbm>>) target(%arg14 : memref<64x128xf32, #tpu.memory_space<vmem>>) offsets(%dma_start3A_61 : memref<64xi32, #tpu.memory_space<vmem>>) semaphore(%arg24 : memref<!tpu.dma_semaphore, #tpu.memory_space<semaphore_mem>>)
    %dma_start3A_65 = arith.constant 9 : i32
    %dma_start3A_66 = arith.constant 0 : i32
    %dma_start3A_67 = tpu.memref_slice %arg5[%dma_start3A_65, %dma_start3A_66] : memref<100x64xi32, #tpu.memory_space<vmem>> -> memref<1x64xi32, #tpu.memory_space<vmem>>
    %dma_start3A_68 = tpu.memref_squeeze %dma_start3A_67 : memref<1x64xi32, #tpu.memory_space<vmem>> -> memref<64xi32, #tpu.memory_space<vmem>>
    %dma_start3A_69 = arith.constant 0 : i32
    %dma_start3A_70 = arith.constant 0 : i32
    %dma_start3A_71 = tpu.memref_slice %arg3[%dma_start3A_69, %dma_start3A_70] : memref<100000x128xf32, #tpu.memory_space<hbm>> -> memref<100000x128xf32, #tpu.memory_space<hbm>>
    tpu.enqueue_indirect_dma source(%dma_start3A_71 : memref<100000x128xf32, #tpu.memory_space<hbm>>) target(%arg15 : memref<64x128xf32, #tpu.memory_space<vmem>>) offsets(%dma_start3A_68 : memref<64xi32, #tpu.memory_space<vmem>>) semaphore(%arg25 : memref<!tpu.dma_semaphore, #tpu.memory_space<semaphore_mem>>)
    %scan3A = arith.constant 0 : i32
    %scan3A_72 = arith.constant 9 : i32
    %scan3A_73 = arith.addi %scan3A, %scan3A_72 : i32
    %scan3A_74 = arith.constant 1 : i32
    scf.for %scan3A_265 = %scan3A to %scan3A_73 step %scan3A_74  : i32 {
      %mul3A_266 = arith.constant 1 : i32
      %mul3A_267 = arith.muli %scan3A_265, %mul3A_266 : i32
      %add3A_268 = arith.constant 0 : i32
      %add3A_269 = arith.addi %add3A_268, %mul3A_267 : i32
      %mul3A_270 = arith.constant 10 : i32
      %mul3A_271 = arith.muli %add3A_269, %mul3A_270 : i32
      %add3A_272 = arith.constant 0 : i32
      %add3A_273 = arith.addi %mul3A_271, %add3A_272 : i32
      %dma_wait3A_274 = arith.constant 0 : i32
      %dma_wait3A_275 = tpu.memref_slice %arg5[%add3A_273, %dma_wait3A_274] : memref<100x64xi32, #tpu.memory_space<vmem>> -> memref<1x64xi32, #tpu.memory_space<vmem>>
      %dma_wait3A_276 = tpu.memref_squeeze %dma_wait3A_275 : memref<1x64xi32, #tpu.memory_space<vmem>> -> memref<64xi32, #tpu.memory_space<vmem>>
      %dma_wait3A_277 = arith.constant 0 : i32
      %dma_wait3A_278 = arith.constant 0 : i32
      %dma_wait3A_279 = tpu.memref_slice %arg3[%dma_wait3A_277, %dma_wait3A_278] : memref<100000x128xf32, #tpu.memory_space<hbm>> -> memref<100000x128xf32, #tpu.memory_space<hbm>>
      tpu.wait_indirect_dma semaphore(%arg16 : memref<!tpu.dma_semaphore, #tpu.memory_space<semaphore_mem>>) src(%dma_wait3A_279 : memref<100000x128xf32, #tpu.memory_space<hbm>>) dst(%arg6 : memref<64x128xf32, #tpu.memory_space<vmem>>)
      %add3A_280 = arith.constant 0 : i32
      %add3A_281 = arith.addi %mul3A_271, %add3A_280 : i32
      %mul3A_282 = arith.constant 64 : i32
      %mul3A_283 = arith.muli %add3A_281, %mul3A_282 : i32
      %add3A_284 = arith.addi %mul3A_2, %mul3A_283 : i32
      %dma_start3A_285 = arith.constant 0 : i32
      %dma_start3A_286 = tpu.memref_slice %arg4[%add3A_284, %dma_start3A_285] : memref<204800x128xf32, #tpu.memory_space<hbm>> -> memref<64x128xf32, #tpu.memory_space<hbm>>
      %dma_start3A_287 = arith.constant 0 : i32
      %dma_start3A_288 = tpu.memref_slice %arg4[%add3A_284, %dma_start3A_287] : memref<204800x128xf32, #tpu.memory_space<hbm>> -> memref<64x128xf32, #tpu.memory_space<hbm>>
      tpu.enqueue_dma source(%arg6 : memref<64x128xf32, #tpu.memory_space<vmem>>) target(%dma_start3A_288 : memref<64x128xf32, #tpu.memory_space<hbm>>) target_semaphore(%arg26 : memref<!tpu.dma_semaphore, #tpu.memory_space<semaphore_mem>>)
      %add3A_289 = arith.constant 1 : i32
      %add3A_290 = arith.addi %mul3A_271, %add3A_289 : i32
      %dma_wait3A_291 = arith.constant 0 : i32
      %dma_wait3A_292 = tpu.memref_slice %arg5[%add3A_290, %dma_wait3A_291] : memref<100x64xi32, #tpu.memory_space<vmem>> -> memref<1x64xi32, #tpu.memory_space<vmem>>
      %dma_wait3A_293 = tpu.memref_squeeze %dma_wait3A_292 : memref<1x64xi32, #tpu.memory_space<vmem>> -> memref<64xi32, #tpu.memory_space<vmem>>
      %dma_wait3A_294 = arith.constant 0 : i32
      %dma_wait3A_295 = arith.constant 0 : i32
      %dma_wait3A_296 = tpu.memref_slice %arg3[%dma_wait3A_294, %dma_wait3A_295] : memref<100000x128xf32, #tpu.memory_space<hbm>> -> memref<100000x128xf32, #tpu.memory_space<hbm>>
      tpu.wait_indirect_dma semaphore(%arg17 : memref<!tpu.dma_semaphore, #tpu.memory_space<semaphore_mem>>) src(%dma_wait3A_296 : memref<100000x128xf32, #tpu.memory_space<hbm>>) dst(%arg7 : memref<64x128xf32, #tpu.memory_space<vmem>>)
      %add3A_297 = arith.constant 1 : i32
      %add3A_298 = arith.addi %mul3A_271, %add3A_297 : i32
      %mul3A_299 = arith.constant 64 : i32
      %mul3A_300 = arith.muli %add3A_298, %mul3A_299 : i32
      %add3A_301 = arith.addi %mul3A_2, %mul3A_300 : i32
      %dma_start3A_302 = arith.constant 0 : i32
      %dma_start3A_303 = tpu.memref_slice %arg4[%add3A_301, %dma_start3A_302] : memref<204800x128xf32, #tpu.memory_space<hbm>> -> memref<64x128xf32, #tpu.memory_space<hbm>>
      %dma_start3A_304 = arith.constant 0 : i32
      %dma_start3A_305 = tpu.memref_slice %arg4[%add3A_301, %dma_start3A_304] : memref<204800x128xf32, #tpu.memory_space<hbm>> -> memref<64x128xf32, #tpu.memory_space<hbm>>
      tpu.enqueue_dma source(%arg7 : memref<64x128xf32, #tpu.memory_space<vmem>>) target(%dma_start3A_305 : memref<64x128xf32, #tpu.memory_space<hbm>>) target_semaphore(%arg27 : memref<!tpu.dma_semaphore, #tpu.memory_space<semaphore_mem>>)
      %add3A_306 = arith.constant 2 : i32
      %add3A_307 = arith.addi %mul3A_271, %add3A_306 : i32
      %dma_wait3A_308 = arith.constant 0 : i32
      %dma_wait3A_309 = tpu.memref_slice %arg5[%add3A_307, %dma_wait3A_308] : memref<100x64xi32, #tpu.memory_space<vmem>> -> memref<1x64xi32, #tpu.memory_space<vmem>>
      %dma_wait3A_310 = tpu.memref_squeeze %dma_wait3A_309 : memref<1x64xi32, #tpu.memory_space<vmem>> -> memref<64xi32, #tpu.memory_space<vmem>>
      %dma_wait3A_311 = arith.constant 0 : i32
      %dma_wait3A_312 = arith.constant 0 : i32
      %dma_wait3A_313 = tpu.memref_slice %arg3[%dma_wait3A_311, %dma_wait3A_312] : memref<100000x128xf32, #tpu.memory_space<hbm>> -> memref<100000x128xf32, #tpu.memory_space<hbm>>
      tpu.wait_indirect_dma semaphore(%arg18 : memref<!tpu.dma_semaphore, #tpu.memory_space<semaphore_mem>>) src(%dma_wait3A_313 : memref<100000x128xf32, #tpu.memory_space<hbm>>) dst(%arg8 : memref<64x128xf32, #tpu.memory_space<vmem>>)
      %add3A_314 = arith.constant 2 : i32
      %add3A_315 = arith.addi %mul3A_271, %add3A_314 : i32
      %mul3A_316 = arith.constant 64 : i32
      %mul3A_317 = arith.muli %add3A_315, %mul3A_316 : i32
      %add3A_318 = arith.addi %mul3A_2, %mul3A_317 : i32
      %dma_start3A_319 = arith.constant 0 : i32
      %dma_start3A_320 = tpu.memref_slice %arg4[%add3A_318, %dma_start3A_319] : memref<204800x128xf32, #tpu.memory_space<hbm>> -> memref<64x128xf32, #tpu.memory_space<hbm>>
      %dma_start3A_321 = arith.constant 0 : i32
      %dma_start3A_322 = tpu.memref_slice %arg4[%add3A_318, %dma_start3A_321] : memref<204800x128xf32, #tpu.memory_space<hbm>> -> memref<64x128xf32, #tpu.memory_space<hbm>>
      tpu.enqueue_dma source(%arg8 : memref<64x128xf32, #tpu.memory_space<vmem>>) target(%dma_start3A_322 : memref<64x128xf32, #tpu.memory_space<hbm>>) target_semaphore(%arg28 : memref<!tpu.dma_semaphore, #tpu.memory_space<semaphore_mem>>)
      %add3A_323 = arith.constant 3 : i32
      %add3A_324 = arith.addi %mul3A_271, %add3A_323 : i32
      %dma_wait3A_325 = arith.constant 0 : i32
      %dma_wait3A_326 = tpu.memref_slice %arg5[%add3A_324, %dma_wait3A_325] : memref<100x64xi32, #tpu.memory_space<vmem>> -> memref<1x64xi32, #tpu.memory_space<vmem>>
      %dma_wait3A_327 = tpu.memref_squeeze %dma_wait3A_326 : memref<1x64xi32, #tpu.memory_space<vmem>> -> memref<64xi32, #tpu.memory_space<vmem>>
      %dma_wait3A_328 = arith.constant 0 : i32
      %dma_wait3A_329 = arith.constant 0 : i32
      %dma_wait3A_330 = tpu.memref_slice %arg3[%dma_wait3A_328, %dma_wait3A_329] : memref<100000x128xf32, #tpu.memory_space<hbm>> -> memref<100000x128xf32, #tpu.memory_space<hbm>>
      tpu.wait_indirect_dma semaphore(%arg19 : memref<!tpu.dma_semaphore, #tpu.memory_space<semaphore_mem>>) src(%dma_wait3A_330 : memref<100000x128xf32, #tpu.memory_space<hbm>>) dst(%arg9 : memref<64x128xf32, #tpu.memory_space<vmem>>)
      %add3A_331 = arith.constant 3 : i32
      %add3A_332 = arith.addi %mul3A_271, %add3A_331 : i32
      %mul3A_333 = arith.constant 64 : i32
      %mul3A_334 = arith.muli %add3A_332, %mul3A_333 : i32
      %add3A_335 = arith.addi %mul3A_2, %mul3A_334 : i32
      %dma_start3A_336 = arith.constant 0 : i32
      %dma_start3A_337 = tpu.memref_slice %arg4[%add3A_335, %dma_start3A_336] : memref<204800x128xf32, #tpu.memory_space<hbm>> -> memref<64x128xf32, #tpu.memory_space<hbm>>
      %dma_start3A_338 = arith.constant 0 : i32
      %dma_start3A_339 = tpu.memref_slice %arg4[%add3A_335, %dma_start3A_338] : memref<204800x128xf32, #tpu.memory_space<hbm>> -> memref<64x128xf32, #tpu.memory_space<hbm>>
      tpu.enqueue_dma source(%arg9 : memref<64x128xf32, #tpu.memory_space<vmem>>) target(%dma_start3A_339 : memref<64x128xf32, #tpu.memory_space<hbm>>) target_semaphore(%arg29 : memref<!tpu.dma_semaphore, #tpu.memory_space<semaphore_mem>>)
      %add3A_340 = arith.constant 4 : i32
      %add3A_341 = arith.addi %mul3A_271, %add3A_340 : i32
      %dma_wait3A_342 = arith.constant 0 : i32
      %dma_wait3A_343 = tpu.memref_slice %arg5[%add3A_341, %dma_wait3A_342] : memref<100x64xi32, #tpu.memory_space<vmem>> -> memref<1x64xi32, #tpu.memory_space<vmem>>
      %dma_wait3A_344 = tpu.memref_squeeze %dma_wait3A_343 : memref<1x64xi32, #tpu.memory_space<vmem>> -> memref<64xi32, #tpu.memory_space<vmem>>
      %dma_wait3A_345 = arith.constant 0 : i32
      %dma_wait3A_346 = arith.constant 0 : i32
      %dma_wait3A_347 = tpu.memref_slice %arg3[%dma_wait3A_345, %dma_wait3A_346] : memref<100000x128xf32, #tpu.memory_space<hbm>> -> memref<100000x128xf32, #tpu.memory_space<hbm>>
      tpu.wait_indirect_dma semaphore(%arg20 : memref<!tpu.dma_semaphore, #tpu.memory_space<semaphore_mem>>) src(%dma_wait3A_347 : memref<100000x128xf32, #tpu.memory_space<hbm>>) dst(%arg10 : memref<64x128xf32, #tpu.memory_space<vmem>>)
      %add3A_348 = arith.constant 4 : i32
      %add3A_349 = arith.addi %mul3A_271, %add3A_348 : i32
      %mul3A_350 = arith.constant 64 : i32
      %mul3A_351 = arith.muli %add3A_349, %mul3A_350 : i32
      %add3A_352 = arith.addi %mul3A_2, %mul3A_351 : i32
      %dma_start3A_353 = arith.constant 0 : i32
      %dma_start3A_354 = tpu.memref_slice %arg4[%add3A_352, %dma_start3A_353] : memref<204800x128xf32, #tpu.memory_space<hbm>> -> memref<64x128xf32, #tpu.memory_space<hbm>>
      %dma_start3A_355 = arith.constant 0 : i32
      %dma_start3A_356 = tpu.memref_slice %arg4[%add3A_352, %dma_start3A_355] : memref<204800x128xf32, #tpu.memory_space<hbm>> -> memref<64x128xf32, #tpu.memory_space<hbm>>
      tpu.enqueue_dma source(%arg10 : memref<64x128xf32, #tpu.memory_space<vmem>>) target(%dma_start3A_356 : memref<64x128xf32, #tpu.memory_space<hbm>>) target_semaphore(%arg30 : memref<!tpu.dma_semaphore, #tpu.memory_space<semaphore_mem>>)
      %add3A_357 = arith.constant 5 : i32
      %add3A_358 = arith.addi %mul3A_271, %add3A_357 : i32
      %dma_wait3A_359 = arith.constant 0 : i32
      %dma_wait3A_360 = tpu.memref_slice %arg5[%add3A_358, %dma_wait3A_359] : memref<100x64xi32, #tpu.memory_space<vmem>> -> memref<1x64xi32, #tpu.memory_space<vmem>>
      %dma_wait3A_361 = tpu.memref_squeeze %dma_wait3A_360 : memref<1x64xi32, #tpu.memory_space<vmem>> -> memref<64xi32, #tpu.memory_space<vmem>>
      %dma_wait3A_362 = arith.constant 0 : i32
      %dma_wait3A_363 = arith.constant 0 : i32
      %dma_wait3A_364 = tpu.memref_slice %arg3[%dma_wait3A_362, %dma_wait3A_363] : memref<100000x128xf32, #tpu.memory_space<hbm>> -> memref<100000x128xf32, #tpu.memory_space<hbm>>
      tpu.wait_indirect_dma semaphore(%arg21 : memref<!tpu.dma_semaphore, #tpu.memory_space<semaphore_mem>>) src(%dma_wait3A_364 : memref<100000x128xf32, #tpu.memory_space<hbm>>) dst(%arg11 : memref<64x128xf32, #tpu.memory_space<vmem>>)
      %add3A_365 = arith.constant 5 : i32
      %add3A_366 = arith.addi %mul3A_271, %add3A_365 : i32
      %mul3A_367 = arith.constant 64 : i32
      %mul3A_368 = arith.muli %add3A_366, %mul3A_367 : i32
      %add3A_369 = arith.addi %mul3A_2, %mul3A_368 : i32
      %dma_start3A_370 = arith.constant 0 : i32
      %dma_start3A_371 = tpu.memref_slice %arg4[%add3A_369, %dma_start3A_370] : memref<204800x128xf32, #tpu.memory_space<hbm>> -> memref<64x128xf32, #tpu.memory_space<hbm>>
      %dma_start3A_372 = arith.constant 0 : i32
      %dma_start3A_373 = tpu.memref_slice %arg4[%add3A_369, %dma_start3A_372] : memref<204800x128xf32, #tpu.memory_space<hbm>> -> memref<64x128xf32, #tpu.memory_space<hbm>>
      tpu.enqueue_dma source(%arg11 : memref<64x128xf32, #tpu.memory_space<vmem>>) target(%dma_start3A_373 : memref<64x128xf32, #tpu.memory_space<hbm>>) target_semaphore(%arg31 : memref<!tpu.dma_semaphore, #tpu.memory_space<semaphore_mem>>)
      %add3A_374 = arith.constant 6 : i32
      %add3A_375 = arith.addi %mul3A_271, %add3A_374 : i32
      %dma_wait3A_376 = arith.constant 0 : i32
      %dma_wait3A_377 = tpu.memref_slice %arg5[%add3A_375, %dma_wait3A_376] : memref<100x64xi32, #tpu.memory_space<vmem>> -> memref<1x64xi32, #tpu.memory_space<vmem>>
      %dma_wait3A_378 = tpu.memref_squeeze %dma_wait3A_377 : memref<1x64xi32, #tpu.memory_space<vmem>> -> memref<64xi32, #tpu.memory_space<vmem>>
      %dma_wait3A_379 = arith.constant 0 : i32
      %dma_wait3A_380 = arith.constant 0 : i32
      %dma_wait3A_381 = tpu.memref_slice %arg3[%dma_wait3A_379, %dma_wait3A_380] : memref<100000x128xf32, #tpu.memory_space<hbm>> -> memref<100000x128xf32, #tpu.memory_space<hbm>>
      tpu.wait_indirect_dma semaphore(%arg22 : memref<!tpu.dma_semaphore, #tpu.memory_space<semaphore_mem>>) src(%dma_wait3A_381 : memref<100000x128xf32, #tpu.memory_space<hbm>>) dst(%arg12 : memref<64x128xf32, #tpu.memory_space<vmem>>)
      %add3A_382 = arith.constant 6 : i32
      %add3A_383 = arith.addi %mul3A_271, %add3A_382 : i32
      %mul3A_384 = arith.constant 64 : i32
      %mul3A_385 = arith.muli %add3A_383, %mul3A_384 : i32
      %add3A_386 = arith.addi %mul3A_2, %mul3A_385 : i32
      %dma_start3A_387 = arith.constant 0 : i32
      %dma_start3A_388 = tpu.memref_slice %arg4[%add3A_386, %dma_start3A_387] : memref<204800x128xf32, #tpu.memory_space<hbm>> -> memref<64x128xf32, #tpu.memory_space<hbm>>
      %dma_start3A_389 = arith.constant 0 : i32
      %dma_start3A_390 = tpu.memref_slice %arg4[%add3A_386, %dma_start3A_389] : memref<204800x128xf32, #tpu.memory_space<hbm>> -> memref<64x128xf32, #tpu.memory_space<hbm>>
      tpu.enqueue_dma source(%arg12 : memref<64x128xf32, #tpu.memory_space<vmem>>) target(%dma_start3A_390 : memref<64x128xf32, #tpu.memory_space<hbm>>) target_semaphore(%arg32 : memref<!tpu.dma_semaphore, #tpu.memory_space<semaphore_mem>>)
      %add3A_391 = arith.constant 7 : i32
      %add3A_392 = arith.addi %mul3A_271, %add3A_391 : i32
      %dma_wait3A_393 = arith.constant 0 : i32
      %dma_wait3A_394 = tpu.memref_slice %arg5[%add3A_392, %dma_wait3A_393] : memref<100x64xi32, #tpu.memory_space<vmem>> -> memref<1x64xi32, #tpu.memory_space<vmem>>
      %dma_wait3A_395 = tpu.memref_squeeze %dma_wait3A_394 : memref<1x64xi32, #tpu.memory_space<vmem>> -> memref<64xi32, #tpu.memory_space<vmem>>
      %dma_wait3A_396 = arith.constant 0 : i32
      %dma_wait3A_397 = arith.constant 0 : i32
      %dma_wait3A_398 = tpu.memref_slice %arg3[%dma_wait3A_396, %dma_wait3A_397] : memref<100000x128xf32, #tpu.memory_space<hbm>> -> memref<100000x128xf32, #tpu.memory_space<hbm>>
      tpu.wait_indirect_dma semaphore(%arg23 : memref<!tpu.dma_semaphore, #tpu.memory_space<semaphore_mem>>) src(%dma_wait3A_398 : memref<100000x128xf32, #tpu.memory_space<hbm>>) dst(%arg13 : memref<64x128xf32, #tpu.memory_space<vmem>>)
      %add3A_399 = arith.constant 7 : i32
      %add3A_400 = arith.addi %mul3A_271, %add3A_399 : i32
      %mul3A_401 = arith.constant 64 : i32
      %mul3A_402 = arith.muli %add3A_400, %mul3A_401 : i32
      %add3A_403 = arith.addi %mul3A_2, %mul3A_402 : i32
      %dma_start3A_404 = arith.constant 0 : i32
      %dma_start3A_405 = tpu.memref_slice %arg4[%add3A_403, %dma_start3A_404] : memref<204800x128xf32, #tpu.memory_space<hbm>> -> memref<64x128xf32, #tpu.memory_space<hbm>>
      %dma_start3A_406 = arith.constant 0 : i32
      %dma_start3A_407 = tpu.memref_slice %arg4[%add3A_403, %dma_start3A_406] : memref<204800x128xf32, #tpu.memory_space<hbm>> -> memref<64x128xf32, #tpu.memory_space<hbm>>
      tpu.enqueue_dma source(%arg13 : memref<64x128xf32, #tpu.memory_space<vmem>>) target(%dma_start3A_407 : memref<64x128xf32, #tpu.memory_space<hbm>>) target_semaphore(%arg33 : memref<!tpu.dma_semaphore, #tpu.memory_space<semaphore_mem>>)
      %add3A_408 = arith.constant 8 : i32
      %add3A_409 = arith.addi %mul3A_271, %add3A_408 : i32
      %dma_wait3A_410 = arith.constant 0 : i32
      %dma_wait3A_411 = tpu.memref_slice %arg5[%add3A_409, %dma_wait3A_410] : memref<100x64xi32, #tpu.memory_space<vmem>> -> memref<1x64xi32, #tpu.memory_space<vmem>>
      %dma_wait3A_412 = tpu.memref_squeeze %dma_wait3A_411 : memref<1x64xi32, #tpu.memory_space<vmem>> -> memref<64xi32, #tpu.memory_space<vmem>>
      %dma_wait3A_413 = arith.constant 0 : i32
      %dma_wait3A_414 = arith.constant 0 : i32
      %dma_wait3A_415 = tpu.memref_slice %arg3[%dma_wait3A_413, %dma_wait3A_414] : memref<100000x128xf32, #tpu.memory_space<hbm>> -> memref<100000x128xf32, #tpu.memory_space<hbm>>
      tpu.wait_indirect_dma semaphore(%arg24 : memref<!tpu.dma_semaphore, #tpu.memory_space<semaphore_mem>>) src(%dma_wait3A_415 : memref<100000x128xf32, #tpu.memory_space<hbm>>) dst(%arg14 : memref<64x128xf32, #tpu.memory_space<vmem>>)
      %add3A_416 = arith.constant 8 : i32
      %add3A_417 = arith.addi %mul3A_271, %add3A_416 : i32
      %mul3A_418 = arith.constant 64 : i32
      %mul3A_419 = arith.muli %add3A_417, %mul3A_418 : i32
      %add3A_420 = arith.addi %mul3A_2, %mul3A_419 : i32
      %dma_start3A_421 = arith.constant 0 : i32
      %dma_start3A_422 = tpu.memref_slice %arg4[%add3A_420, %dma_start3A_421] : memref<204800x128xf32, #tpu.memory_space<hbm>> -> memref<64x128xf32, #tpu.memory_space<hbm>>
      %dma_start3A_423 = arith.constant 0 : i32
      %dma_start3A_424 = tpu.memref_slice %arg4[%add3A_420, %dma_start3A_423] : memref<204800x128xf32, #tpu.memory_space<hbm>> -> memref<64x128xf32, #tpu.memory_space<hbm>>
      tpu.enqueue_dma source(%arg14 : memref<64x128xf32, #tpu.memory_space<vmem>>) target(%dma_start3A_424 : memref<64x128xf32, #tpu.memory_space<hbm>>) target_semaphore(%arg34 : memref<!tpu.dma_semaphore, #tpu.memory_space<semaphore_mem>>)
      %add3A_425 = arith.constant 9 : i32
      %add3A_426 = arith.addi %mul3A_271, %add3A_425 : i32
      %dma_wait3A_427 = arith.constant 0 : i32
      %dma_wait3A_428 = tpu.memref_slice %arg5[%add3A_426, %dma_wait3A_427] : memref<100x64xi32, #tpu.memory_space<vmem>> -> memref<1x64xi32, #tpu.memory_space<vmem>>
      %dma_wait3A_429 = tpu.memref_squeeze %dma_wait3A_428 : memref<1x64xi32, #tpu.memory_space<vmem>> -> memref<64xi32, #tpu.memory_space<vmem>>
      %dma_wait3A_430 = arith.constant 0 : i32
      %dma_wait3A_431 = arith.constant 0 : i32
      %dma_wait3A_432 = tpu.memref_slice %arg3[%dma_wait3A_430, %dma_wait3A_431] : memref<100000x128xf32, #tpu.memory_space<hbm>> -> memref<100000x128xf32, #tpu.memory_space<hbm>>
      tpu.wait_indirect_dma semaphore(%arg25 : memref<!tpu.dma_semaphore, #tpu.memory_space<semaphore_mem>>) src(%dma_wait3A_432 : memref<100000x128xf32, #tpu.memory_space<hbm>>) dst(%arg15 : memref<64x128xf32, #tpu.memory_space<vmem>>)
      %add3A_433 = arith.constant 9 : i32
      %add3A_434 = arith.addi %mul3A_271, %add3A_433 : i32
      %mul3A_435 = arith.constant 64 : i32
      %mul3A_436 = arith.muli %add3A_434, %mul3A_435 : i32
      %add3A_437 = arith.addi %mul3A_2, %mul3A_436 : i32
      %dma_start3A_438 = arith.constant 0 : i32
      %dma_start3A_439 = tpu.memref_slice %arg4[%add3A_437, %dma_start3A_438] : memref<204800x128xf32, #tpu.memory_space<hbm>> -> memref<64x128xf32, #tpu.memory_space<hbm>>
      %dma_start3A_440 = arith.constant 0 : i32
      %dma_start3A_441 = tpu.memref_slice %arg4[%add3A_437, %dma_start3A_440] : memref<204800x128xf32, #tpu.memory_space<hbm>> -> memref<64x128xf32, #tpu.memory_space<hbm>>
      tpu.enqueue_dma source(%arg15 : memref<64x128xf32, #tpu.memory_space<vmem>>) target(%dma_start3A_441 : memref<64x128xf32, #tpu.memory_space<hbm>>) target_semaphore(%arg35 : memref<!tpu.dma_semaphore, #tpu.memory_space<semaphore_mem>>)
      %add3A_442 = arith.constant 0 : i32
      %add3A_443 = arith.addi %mul3A_271, %add3A_442 : i32
      %mul3A_444 = arith.constant 64 : i32
      %mul3A_445 = arith.muli %add3A_443, %mul3A_444 : i32
      %add3A_446 = arith.addi %mul3A_2, %mul3A_445 : i32
      %dma_wait3A_447 = arith.constant 0 : i32
      %dma_wait3A_448 = tpu.memref_slice %arg4[%add3A_446, %dma_wait3A_447] : memref<204800x128xf32, #tpu.memory_space<hbm>> -> memref<64x128xf32, #tpu.memory_space<hbm>>
      %dma_wait3A_449 = arith.constant 0 : i32
      %dma_wait3A_450 = tpu.memref_slice %arg4[%add3A_446, %dma_wait3A_449] : memref<204800x128xf32, #tpu.memory_space<hbm>> -> memref<64x128xf32, #tpu.memory_space<hbm>>
      tpu.wait_dma2 semaphore(%arg26 : memref<!tpu.dma_semaphore, #tpu.memory_space<semaphore_mem>>) src(%arg6 : memref<64x128xf32, #tpu.memory_space<vmem>>) dst(%dma_wait3A_450 : memref<64x128xf32, #tpu.memory_space<hbm>>)
      %add3A_451 = arith.constant 0 : i32
      %add3A_452 = arith.addi %mul3A_271, %add3A_451 : i32
      %add3A_453 = arith.constant 10 : i32
      %add3A_454 = arith.addi %add3A_452, %add3A_453 : i32
      %dma_start3A_455 = arith.constant 0 : i32
      %dma_start3A_456 = tpu.memref_slice %arg5[%add3A_454, %dma_start3A_455] : memref<100x64xi32, #tpu.memory_space<vmem>> -> memref<1x64xi32, #tpu.memory_space<vmem>>
      %dma_start3A_457 = tpu.memref_squeeze %dma_start3A_456 : memref<1x64xi32, #tpu.memory_space<vmem>> -> memref<64xi32, #tpu.memory_space<vmem>>
      %dma_start3A_458 = arith.constant 0 : i32
      %dma_start3A_459 = arith.constant 0 : i32
      %dma_start3A_460 = tpu.memref_slice %arg3[%dma_start3A_458, %dma_start3A_459] : memref<100000x128xf32, #tpu.memory_space<hbm>> -> memref<100000x128xf32, #tpu.memory_space<hbm>>
      tpu.enqueue_indirect_dma source(%dma_start3A_460 : memref<100000x128xf32, #tpu.memory_space<hbm>>) target(%arg6 : memref<64x128xf32, #tpu.memory_space<vmem>>) offsets(%dma_start3A_457 : memref<64xi32, #tpu.memory_space<vmem>>) semaphore(%arg16 : memref<!tpu.dma_semaphore, #tpu.memory_space<semaphore_mem>>)
      %add3A_461 = arith.constant 1 : i32
      %add3A_462 = arith.addi %mul3A_271, %add3A_461 : i32
      %mul3A_463 = arith.constant 64 : i32
      %mul3A_464 = arith.muli %add3A_462, %mul3A_463 : i32
      %add3A_465 = arith.addi %mul3A_2, %mul3A_464 : i32
      %dma_wait3A_466 = arith.constant 0 : i32
      %dma_wait3A_467 = tpu.memref_slice %arg4[%add3A_465, %dma_wait3A_466] : memref<204800x128xf32, #tpu.memory_space<hbm>> -> memref<64x128xf32, #tpu.memory_space<hbm>>
      %dma_wait3A_468 = arith.constant 0 : i32
      %dma_wait3A_469 = tpu.memref_slice %arg4[%add3A_465, %dma_wait3A_468] : memref<204800x128xf32, #tpu.memory_space<hbm>> -> memref<64x128xf32, #tpu.memory_space<hbm>>
      tpu.wait_dma2 semaphore(%arg27 : memref<!tpu.dma_semaphore, #tpu.memory_space<semaphore_mem>>) src(%arg7 : memref<64x128xf32, #tpu.memory_space<vmem>>) dst(%dma_wait3A_469 : memref<64x128xf32, #tpu.memory_space<hbm>>)
      %add3A_470 = arith.constant 1 : i32
      %add3A_471 = arith.addi %mul3A_271, %add3A_470 : i32
      %add3A_472 = arith.constant 10 : i32
      %add3A_473 = arith.addi %add3A_471, %add3A_472 : i32
      %dma_start3A_474 = arith.constant 0 : i32
      %dma_start3A_475 = tpu.memref_slice %arg5[%add3A_473, %dma_start3A_474] : memref<100x64xi32, #tpu.memory_space<vmem>> -> memref<1x64xi32, #tpu.memory_space<vmem>>
      %dma_start3A_476 = tpu.memref_squeeze %dma_start3A_475 : memref<1x64xi32, #tpu.memory_space<vmem>> -> memref<64xi32, #tpu.memory_space<vmem>>
      %dma_start3A_477 = arith.constant 0 : i32
      %dma_start3A_478 = arith.constant 0 : i32
      %dma_start3A_479 = tpu.memref_slice %arg3[%dma_start3A_477, %dma_start3A_478] : memref<100000x128xf32, #tpu.memory_space<hbm>> -> memref<100000x128xf32, #tpu.memory_space<hbm>>
      tpu.enqueue_indirect_dma source(%dma_start3A_479 : memref<100000x128xf32, #tpu.memory_space<hbm>>) target(%arg7 : memref<64x128xf32, #tpu.memory_space<vmem>>) offsets(%dma_start3A_476 : memref<64xi32, #tpu.memory_space<vmem>>) semaphore(%arg17 : memref<!tpu.dma_semaphore, #tpu.memory_space<semaphore_mem>>)
      %add3A_480 = arith.constant 2 : i32
      %add3A_481 = arith.addi %mul3A_271, %add3A_480 : i32
      %mul3A_482 = arith.constant 64 : i32
      %mul3A_483 = arith.muli %add3A_481, %mul3A_482 : i32
      %add3A_484 = arith.addi %mul3A_2, %mul3A_483 : i32
      %dma_wait3A_485 = arith.constant 0 : i32
      %dma_wait3A_486 = tpu.memref_slice %arg4[%add3A_484, %dma_wait3A_485] : memref<204800x128xf32, #tpu.memory_space<hbm>> -> memref<64x128xf32, #tpu.memory_space<hbm>>
      %dma_wait3A_487 = arith.constant 0 : i32
      %dma_wait3A_488 = tpu.memref_slice %arg4[%add3A_484, %dma_wait3A_487] : memref<204800x128xf32, #tpu.memory_space<hbm>> -> memref<64x128xf32, #tpu.memory_space<hbm>>
      tpu.wait_dma2 semaphore(%arg28 : memref<!tpu.dma_semaphore, #tpu.memory_space<semaphore_mem>>) src(%arg8 : memref<64x128xf32, #tpu.memory_space<vmem>>) dst(%dma_wait3A_488 : memref<64x128xf32, #tpu.memory_space<hbm>>)
      %add3A_489 = arith.constant 2 : i32
      %add3A_490 = arith.addi %mul3A_271, %add3A_489 : i32
      %add3A_491 = arith.constant 10 : i32
      %add3A_492 = arith.addi %add3A_490, %add3A_491 : i32
      %dma_start3A_493 = arith.constant 0 : i32
      %dma_start3A_494 = tpu.memref_slice %arg5[%add3A_492, %dma_start3A_493] : memref<100x64xi32, #tpu.memory_space<vmem>> -> memref<1x64xi32, #tpu.memory_space<vmem>>
      %dma_start3A_495 = tpu.memref_squeeze %dma_start3A_494 : memref<1x64xi32, #tpu.memory_space<vmem>> -> memref<64xi32, #tpu.memory_space<vmem>>
      %dma_start3A_496 = arith.constant 0 : i32
      %dma_start3A_497 = arith.constant 0 : i32
      %dma_start3A_498 = tpu.memref_slice %arg3[%dma_start3A_496, %dma_start3A_497] : memref<100000x128xf32, #tpu.memory_space<hbm>> -> memref<100000x128xf32, #tpu.memory_space<hbm>>
      tpu.enqueue_indirect_dma source(%dma_start3A_498 : memref<100000x128xf32, #tpu.memory_space<hbm>>) target(%arg8 : memref<64x128xf32, #tpu.memory_space<vmem>>) offsets(%dma_start3A_495 : memref<64xi32, #tpu.memory_space<vmem>>) semaphore(%arg18 : memref<!tpu.dma_semaphore, #tpu.memory_space<semaphore_mem>>)
      %add3A_499 = arith.constant 3 : i32
      %add3A_500 = arith.addi %mul3A_271, %add3A_499 : i32
      %mul3A_501 = arith.constant 64 : i32
      %mul3A_502 = arith.muli %add3A_500, %mul3A_501 : i32
      %add3A_503 = arith.addi %mul3A_2, %mul3A_502 : i32
      %dma_wait3A_504 = arith.constant 0 : i32
      %dma_wait3A_505 = tpu.memref_slice %arg4[%add3A_503, %dma_wait3A_504] : memref<204800x128xf32, #tpu.memory_space<hbm>> -> memref<64x128xf32, #tpu.memory_space<hbm>>
      %dma_wait3A_506 = arith.constant 0 : i32
      %dma_wait3A_507 = tpu.memref_slice %arg4[%add3A_503, %dma_wait3A_506] : memref<204800x128xf32, #tpu.memory_space<hbm>> -> memref<64x128xf32, #tpu.memory_space<hbm>>
      tpu.wait_dma2 semaphore(%arg29 : memref<!tpu.dma_semaphore, #tpu.memory_space<semaphore_mem>>) src(%arg9 : memref<64x128xf32, #tpu.memory_space<vmem>>) dst(%dma_wait3A_507 : memref<64x128xf32, #tpu.memory_space<hbm>>)
      %add3A_508 = arith.constant 3 : i32
      %add3A_509 = arith.addi %mul3A_271, %add3A_508 : i32
      %add3A_510 = arith.constant 10 : i32
      %add3A_511 = arith.addi %add3A_509, %add3A_510 : i32
      %dma_start3A_512 = arith.constant 0 : i32
      %dma_start3A_513 = tpu.memref_slice %arg5[%add3A_511, %dma_start3A_512] : memref<100x64xi32, #tpu.memory_space<vmem>> -> memref<1x64xi32, #tpu.memory_space<vmem>>
      %dma_start3A_514 = tpu.memref_squeeze %dma_start3A_513 : memref<1x64xi32, #tpu.memory_space<vmem>> -> memref<64xi32, #tpu.memory_space<vmem>>
      %dma_start3A_515 = arith.constant 0 : i32
      %dma_start3A_516 = arith.constant 0 : i32
      %dma_start3A_517 = tpu.memref_slice %arg3[%dma_start3A_515, %dma_start3A_516] : memref<100000x128xf32, #tpu.memory_space<hbm>> -> memref<100000x128xf32, #tpu.memory_space<hbm>>
      tpu.enqueue_indirect_dma source(%dma_start3A_517 : memref<100000x128xf32, #tpu.memory_space<hbm>>) target(%arg9 : memref<64x128xf32, #tpu.memory_space<vmem>>) offsets(%dma_start3A_514 : memref<64xi32, #tpu.memory_space<vmem>>) semaphore(%arg19 : memref<!tpu.dma_semaphore, #tpu.memory_space<semaphore_mem>>)
      %add3A_518 = arith.constant 4 : i32
      %add3A_519 = arith.addi %mul3A_271, %add3A_518 : i32
      %mul3A_520 = arith.constant 64 : i32
      %mul3A_521 = arith.muli %add3A_519, %mul3A_520 : i32
      %add3A_522 = arith.addi %mul3A_2, %mul3A_521 : i32
      %dma_wait3A_523 = arith.constant 0 : i32
      %dma_wait3A_524 = tpu.memref_slice %arg4[%add3A_522, %dma_wait3A_523] : memref<204800x128xf32, #tpu.memory_space<hbm>> -> memref<64x128xf32, #tpu.memory_space<hbm>>
      %dma_wait3A_525 = arith.constant 0 : i32
      %dma_wait3A_526 = tpu.memref_slice %arg4[%add3A_522, %dma_wait3A_525] : memref<204800x128xf32, #tpu.memory_space<hbm>> -> memref<64x128xf32, #tpu.memory_space<hbm>>
      tpu.wait_dma2 semaphore(%arg30 : memref<!tpu.dma_semaphore, #tpu.memory_space<semaphore_mem>>) src(%arg10 : memref<64x128xf32, #tpu.memory_space<vmem>>) dst(%dma_wait3A_526 : memref<64x128xf32, #tpu.memory_space<hbm>>)
      %add3A_527 = arith.constant 4 : i32
      %add3A_528 = arith.addi %mul3A_271, %add3A_527 : i32
      %add3A_529 = arith.constant 10 : i32
      %add3A_530 = arith.addi %add3A_528, %add3A_529 : i32
      %dma_start3A_531 = arith.constant 0 : i32
      %dma_start3A_532 = tpu.memref_slice %arg5[%add3A_530, %dma_start3A_531] : memref<100x64xi32, #tpu.memory_space<vmem>> -> memref<1x64xi32, #tpu.memory_space<vmem>>
      %dma_start3A_533 = tpu.memref_squeeze %dma_start3A_532 : memref<1x64xi32, #tpu.memory_space<vmem>> -> memref<64xi32, #tpu.memory_space<vmem>>
      %dma_start3A_534 = arith.constant 0 : i32
      %dma_start3A_535 = arith.constant 0 : i32
      %dma_start3A_536 = tpu.memref_slice %arg3[%dma_start3A_534, %dma_start3A_535] : memref<100000x128xf32, #tpu.memory_space<hbm>> -> memref<100000x128xf32, #tpu.memory_space<hbm>>
      tpu.enqueue_indirect_dma source(%dma_start3A_536 : memref<100000x128xf32, #tpu.memory_space<hbm>>) target(%arg10 : memref<64x128xf32, #tpu.memory_space<vmem>>) offsets(%dma_start3A_533 : memref<64xi32, #tpu.memory_space<vmem>>) semaphore(%arg20 : memref<!tpu.dma_semaphore, #tpu.memory_space<semaphore_mem>>)
      %add3A_537 = arith.constant 5 : i32
      %add3A_538 = arith.addi %mul3A_271, %add3A_537 : i32
      %mul3A_539 = arith.constant 64 : i32
      %mul3A_540 = arith.muli %add3A_538, %mul3A_539 : i32
      %add3A_541 = arith.addi %mul3A_2, %mul3A_540 : i32
      %dma_wait3A_542 = arith.constant 0 : i32
      %dma_wait3A_543 = tpu.memref_slice %arg4[%add3A_541, %dma_wait3A_542] : memref<204800x128xf32, #tpu.memory_space<hbm>> -> memref<64x128xf32, #tpu.memory_space<hbm>>
      %dma_wait3A_544 = arith.constant 0 : i32
      %dma_wait3A_545 = tpu.memref_slice %arg4[%add3A_541, %dma_wait3A_544] : memref<204800x128xf32, #tpu.memory_space<hbm>> -> memref<64x128xf32, #tpu.memory_space<hbm>>
      tpu.wait_dma2 semaphore(%arg31 : memref<!tpu.dma_semaphore, #tpu.memory_space<semaphore_mem>>) src(%arg11 : memref<64x128xf32, #tpu.memory_space<vmem>>) dst(%dma_wait3A_545 : memref<64x128xf32, #tpu.memory_space<hbm>>)
      %add3A_546 = arith.constant 5 : i32
      %add3A_547 = arith.addi %mul3A_271, %add3A_546 : i32
      %add3A_548 = arith.constant 10 : i32
      %add3A_549 = arith.addi %add3A_547, %add3A_548 : i32
      %dma_start3A_550 = arith.constant 0 : i32
      %dma_start3A_551 = tpu.memref_slice %arg5[%add3A_549, %dma_start3A_550] : memref<100x64xi32, #tpu.memory_space<vmem>> -> memref<1x64xi32, #tpu.memory_space<vmem>>
      %dma_start3A_552 = tpu.memref_squeeze %dma_start3A_551 : memref<1x64xi32, #tpu.memory_space<vmem>> -> memref<64xi32, #tpu.memory_space<vmem>>
      %dma_start3A_553 = arith.constant 0 : i32
      %dma_start3A_554 = arith.constant 0 : i32
      %dma_start3A_555 = tpu.memref_slice %arg3[%dma_start3A_553, %dma_start3A_554] : memref<100000x128xf32, #tpu.memory_space<hbm>> -> memref<100000x128xf32, #tpu.memory_space<hbm>>
      tpu.enqueue_indirect_dma source(%dma_start3A_555 : memref<100000x128xf32, #tpu.memory_space<hbm>>) target(%arg11 : memref<64x128xf32, #tpu.memory_space<vmem>>) offsets(%dma_start3A_552 : memref<64xi32, #tpu.memory_space<vmem>>) semaphore(%arg21 : memref<!tpu.dma_semaphore, #tpu.memory_space<semaphore_mem>>)
      %add3A_556 = arith.constant 6 : i32
      %add3A_557 = arith.addi %mul3A_271, %add3A_556 : i32
      %mul3A_558 = arith.constant 64 : i32
      %mul3A_559 = arith.muli %add3A_557, %mul3A_558 : i32
      %add3A_560 = arith.addi %mul3A_2, %mul3A_559 : i32
      %dma_wait3A_561 = arith.constant 0 : i32
      %dma_wait3A_562 = tpu.memref_slice %arg4[%add3A_560, %dma_wait3A_561] : memref<204800x128xf32, #tpu.memory_space<hbm>> -> memref<64x128xf32, #tpu.memory_space<hbm>>
      %dma_wait3A_563 = arith.constant 0 : i32
      %dma_wait3A_564 = tpu.memref_slice %arg4[%add3A_560, %dma_wait3A_563] : memref<204800x128xf32, #tpu.memory_space<hbm>> -> memref<64x128xf32, #tpu.memory_space<hbm>>
      tpu.wait_dma2 semaphore(%arg32 : memref<!tpu.dma_semaphore, #tpu.memory_space<semaphore_mem>>) src(%arg12 : memref<64x128xf32, #tpu.memory_space<vmem>>) dst(%dma_wait3A_564 : memref<64x128xf32, #tpu.memory_space<hbm>>)
      %add3A_565 = arith.constant 6 : i32
      %add3A_566 = arith.addi %mul3A_271, %add3A_565 : i32
      %add3A_567 = arith.constant 10 : i32
      %add3A_568 = arith.addi %add3A_566, %add3A_567 : i32
      %dma_start3A_569 = arith.constant 0 : i32
      %dma_start3A_570 = tpu.memref_slice %arg5[%add3A_568, %dma_start3A_569] : memref<100x64xi32, #tpu.memory_space<vmem>> -> memref<1x64xi32, #tpu.memory_space<vmem>>
      %dma_start3A_571 = tpu.memref_squeeze %dma_start3A_570 : memref<1x64xi32, #tpu.memory_space<vmem>> -> memref<64xi32, #tpu.memory_space<vmem>>
      %dma_start3A_572 = arith.constant 0 : i32
      %dma_start3A_573 = arith.constant 0 : i32
      %dma_start3A_574 = tpu.memref_slice %arg3[%dma_start3A_572, %dma_start3A_573] : memref<100000x128xf32, #tpu.memory_space<hbm>> -> memref<100000x128xf32, #tpu.memory_space<hbm>>
      tpu.enqueue_indirect_dma source(%dma_start3A_574 : memref<100000x128xf32, #tpu.memory_space<hbm>>) target(%arg12 : memref<64x128xf32, #tpu.memory_space<vmem>>) offsets(%dma_start3A_571 : memref<64xi32, #tpu.memory_space<vmem>>) semaphore(%arg22 : memref<!tpu.dma_semaphore, #tpu.memory_space<semaphore_mem>>)
      %add3A_575 = arith.constant 7 : i32
      %add3A_576 = arith.addi %mul3A_271, %add3A_575 : i32
      %mul3A_577 = arith.constant 64 : i32
      %mul3A_578 = arith.muli %add3A_576, %mul3A_577 : i32
      %add3A_579 = arith.addi %mul3A_2, %mul3A_578 : i32
      %dma_wait3A_580 = arith.constant 0 : i32
      %dma_wait3A_581 = tpu.memref_slice %arg4[%add3A_579, %dma_wait3A_580] : memref<204800x128xf32, #tpu.memory_space<hbm>> -> memref<64x128xf32, #tpu.memory_space<hbm>>
      %dma_wait3A_582 = arith.constant 0 : i32
      %dma_wait3A_583 = tpu.memref_slice %arg4[%add3A_579, %dma_wait3A_582] : memref<204800x128xf32, #tpu.memory_space<hbm>> -> memref<64x128xf32, #tpu.memory_space<hbm>>
      tpu.wait_dma2 semaphore(%arg33 : memref<!tpu.dma_semaphore, #tpu.memory_space<semaphore_mem>>) src(%arg13 : memref<64x128xf32, #tpu.memory_space<vmem>>) dst(%dma_wait3A_583 : memref<64x128xf32, #tpu.memory_space<hbm>>)
      %add3A_584 = arith.constant 7 : i32
      %add3A_585 = arith.addi %mul3A_271, %add3A_584 : i32
      %add3A_586 = arith.constant 10 : i32
      %add3A_587 = arith.addi %add3A_585, %add3A_586 : i32
      %dma_start3A_588 = arith.constant 0 : i32
      %dma_start3A_589 = tpu.memref_slice %arg5[%add3A_587, %dma_start3A_588] : memref<100x64xi32, #tpu.memory_space<vmem>> -> memref<1x64xi32, #tpu.memory_space<vmem>>
      %dma_start3A_590 = tpu.memref_squeeze %dma_start3A_589 : memref<1x64xi32, #tpu.memory_space<vmem>> -> memref<64xi32, #tpu.memory_space<vmem>>
      %dma_start3A_591 = arith.constant 0 : i32
      %dma_start3A_592 = arith.constant 0 : i32
      %dma_start3A_593 = tpu.memref_slice %arg3[%dma_start3A_591, %dma_start3A_592] : memref<100000x128xf32, #tpu.memory_space<hbm>> -> memref<100000x128xf32, #tpu.memory_space<hbm>>
      tpu.enqueue_indirect_dma source(%dma_start3A_593 : memref<100000x128xf32, #tpu.memory_space<hbm>>) target(%arg13 : memref<64x128xf32, #tpu.memory_space<vmem>>) offsets(%dma_start3A_590 : memref<64xi32, #tpu.memory_space<vmem>>) semaphore(%arg23 : memref<!tpu.dma_semaphore, #tpu.memory_space<semaphore_mem>>)
      %add3A_594 = arith.constant 8 : i32
      %add3A_595 = arith.addi %mul3A_271, %add3A_594 : i32
      %mul3A_596 = arith.constant 64 : i32
      %mul3A_597 = arith.muli %add3A_595, %mul3A_596 : i32
      %add3A_598 = arith.addi %mul3A_2, %mul3A_597 : i32
      %dma_wait3A_599 = arith.constant 0 : i32
      %dma_wait3A_600 = tpu.memref_slice %arg4[%add3A_598, %dma_wait3A_599] : memref<204800x128xf32, #tpu.memory_space<hbm>> -> memref<64x128xf32, #tpu.memory_space<hbm>>
      %dma_wait3A_601 = arith.constant 0 : i32
      %dma_wait3A_602 = tpu.memref_slice %arg4[%add3A_598, %dma_wait3A_601] : memref<204800x128xf32, #tpu.memory_space<hbm>> -> memref<64x128xf32, #tpu.memory_space<hbm>>
      tpu.wait_dma2 semaphore(%arg34 : memref<!tpu.dma_semaphore, #tpu.memory_space<semaphore_mem>>) src(%arg14 : memref<64x128xf32, #tpu.memory_space<vmem>>) dst(%dma_wait3A_602 : memref<64x128xf32, #tpu.memory_space<hbm>>)
      %add3A_603 = arith.constant 8 : i32
      %add3A_604 = arith.addi %mul3A_271, %add3A_603 : i32
      %add3A_605 = arith.constant 10 : i32
      %add3A_606 = arith.addi %add3A_604, %add3A_605 : i32
      %dma_start3A_607 = arith.constant 0 : i32
      %dma_start3A_608 = tpu.memref_slice %arg5[%add3A_606, %dma_start3A_607] : memref<100x64xi32, #tpu.memory_space<vmem>> -> memref<1x64xi32, #tpu.memory_space<vmem>>
      %dma_start3A_609 = tpu.memref_squeeze %dma_start3A_608 : memref<1x64xi32, #tpu.memory_space<vmem>> -> memref<64xi32, #tpu.memory_space<vmem>>
      %dma_start3A_610 = arith.constant 0 : i32
      %dma_start3A_611 = arith.constant 0 : i32
      %dma_start3A_612 = tpu.memref_slice %arg3[%dma_start3A_610, %dma_start3A_611] : memref<100000x128xf32, #tpu.memory_space<hbm>> -> memref<100000x128xf32, #tpu.memory_space<hbm>>
      tpu.enqueue_indirect_dma source(%dma_start3A_612 : memref<100000x128xf32, #tpu.memory_space<hbm>>) target(%arg14 : memref<64x128xf32, #tpu.memory_space<vmem>>) offsets(%dma_start3A_609 : memref<64xi32, #tpu.memory_space<vmem>>) semaphore(%arg24 : memref<!tpu.dma_semaphore, #tpu.memory_space<semaphore_mem>>)
      %add3A_613 = arith.constant 9 : i32
      %add3A_614 = arith.addi %mul3A_271, %add3A_613 : i32
      %mul3A_615 = arith.constant 64 : i32
      %mul3A_616 = arith.muli %add3A_614, %mul3A_615 : i32
      %add3A_617 = arith.addi %mul3A_2, %mul3A_616 : i32
      %dma_wait3A_618 = arith.constant 0 : i32
      %dma_wait3A_619 = tpu.memref_slice %arg4[%add3A_617, %dma_wait3A_618] : memref<204800x128xf32, #tpu.memory_space<hbm>> -> memref<64x128xf32, #tpu.memory_space<hbm>>
      %dma_wait3A_620 = arith.constant 0 : i32
      %dma_wait3A_621 = tpu.memref_slice %arg4[%add3A_617, %dma_wait3A_620] : memref<204800x128xf32, #tpu.memory_space<hbm>> -> memref<64x128xf32, #tpu.memory_space<hbm>>
      tpu.wait_dma2 semaphore(%arg35 : memref<!tpu.dma_semaphore, #tpu.memory_space<semaphore_mem>>) src(%arg15 : memref<64x128xf32, #tpu.memory_space<vmem>>) dst(%dma_wait3A_621 : memref<64x128xf32, #tpu.memory_space<hbm>>)
      %add3A_622 = arith.constant 9 : i32
      %add3A_623 = arith.addi %mul3A_271, %add3A_622 : i32
      %add3A_624 = arith.constant 10 : i32
      %add3A_625 = arith.addi %add3A_623, %add3A_624 : i32
      %dma_start3A_626 = arith.constant 0 : i32
      %dma_start3A_627 = tpu.memref_slice %arg5[%add3A_625, %dma_start3A_626] : memref<100x64xi32, #tpu.memory_space<vmem>> -> memref<1x64xi32, #tpu.memory_space<vmem>>
      %dma_start3A_628 = tpu.memref_squeeze %dma_start3A_627 : memref<1x64xi32, #tpu.memory_space<vmem>> -> memref<64xi32, #tpu.memory_space<vmem>>
      %dma_start3A_629 = arith.constant 0 : i32
      %dma_start3A_630 = arith.constant 0 : i32
      %dma_start3A_631 = tpu.memref_slice %arg3[%dma_start3A_629, %dma_start3A_630] : memref<100000x128xf32, #tpu.memory_space<hbm>> -> memref<100000x128xf32, #tpu.memory_space<hbm>>
      tpu.enqueue_indirect_dma source(%dma_start3A_631 : memref<100000x128xf32, #tpu.memory_space<hbm>>) target(%arg15 : memref<64x128xf32, #tpu.memory_space<vmem>>) offsets(%dma_start3A_628 : memref<64xi32, #tpu.memory_space<vmem>>) semaphore(%arg25 : memref<!tpu.dma_semaphore, #tpu.memory_space<semaphore_mem>>)
    }
    %scan3A_75 = arith.constant 9 : i32
    %dma_wait3A = arith.constant 90 : i32
    %dma_wait3A_76 = arith.constant 0 : i32
    %dma_wait3A_77 = tpu.memref_slice %arg5[%dma_wait3A, %dma_wait3A_76] : memref<100x64xi32, #tpu.memory_space<vmem>> -> memref<1x64xi32, #tpu.memory_space<vmem>>
    %dma_wait3A_78 = tpu.memref_squeeze %dma_wait3A_77 : memref<1x64xi32, #tpu.memory_space<vmem>> -> memref<64xi32, #tpu.memory_space<vmem>>
    %dma_wait3A_79 = arith.constant 0 : i32
    %dma_wait3A_80 = arith.constant 0 : i32
    %dma_wait3A_81 = tpu.memref_slice %arg3[%dma_wait3A_79, %dma_wait3A_80] : memref<100000x128xf32, #tpu.memory_space<hbm>> -> memref<100000x128xf32, #tpu.memory_space<hbm>>
    tpu.wait_indirect_dma semaphore(%arg16 : memref<!tpu.dma_semaphore, #tpu.memory_space<semaphore_mem>>) src(%dma_wait3A_81 : memref<100000x128xf32, #tpu.memory_space<hbm>>) dst(%arg6 : memref<64x128xf32, #tpu.memory_space<vmem>>)
    %add3A_82 = arith.constant 5760 : i32
    %add3A_83 = arith.addi %mul3A_2, %add3A_82 : i32
    %dma_start3A_84 = arith.constant 0 : i32
    %dma_start3A_85 = tpu.memref_slice %arg4[%add3A_83, %dma_start3A_84] : memref<204800x128xf32, #tpu.memory_space<hbm>> -> memref<64x128xf32, #tpu.memory_space<hbm>>
    %dma_start3A_86 = arith.constant 0 : i32
    %dma_start3A_87 = tpu.memref_slice %arg4[%add3A_83, %dma_start3A_86] : memref<204800x128xf32, #tpu.memory_space<hbm>> -> memref<64x128xf32, #tpu.memory_space<hbm>>
    tpu.enqueue_dma source(%arg6 : memref<64x128xf32, #tpu.memory_space<vmem>>) target(%dma_start3A_87 : memref<64x128xf32, #tpu.memory_space<hbm>>) target_semaphore(%arg26 : memref<!tpu.dma_semaphore, #tpu.memory_space<semaphore_mem>>)
    %dma_wait3A_88 = arith.constant 91 : i32
    %dma_wait3A_89 = arith.constant 0 : i32
    %dma_wait3A_90 = tpu.memref_slice %arg5[%dma_wait3A_88, %dma_wait3A_89] : memref<100x64xi32, #tpu.memory_space<vmem>> -> memref<1x64xi32, #tpu.memory_space<vmem>>
    %dma_wait3A_91 = tpu.memref_squeeze %dma_wait3A_90 : memref<1x64xi32, #tpu.memory_space<vmem>> -> memref<64xi32, #tpu.memory_space<vmem>>
    %dma_wait3A_92 = arith.constant 0 : i32
    %dma_wait3A_93 = arith.constant 0 : i32
    %dma_wait3A_94 = tpu.memref_slice %arg3[%dma_wait3A_92, %dma_wait3A_93] : memref<100000x128xf32, #tpu.memory_space<hbm>> -> memref<100000x128xf32, #tpu.memory_space<hbm>>
    tpu.wait_indirect_dma semaphore(%arg17 : memref<!tpu.dma_semaphore, #tpu.memory_space<semaphore_mem>>) src(%dma_wait3A_94 : memref<100000x128xf32, #tpu.memory_space<hbm>>) dst(%arg7 : memref<64x128xf32, #tpu.memory_space<vmem>>)
    %add3A_95 = arith.constant 5824 : i32
    %add3A_96 = arith.addi %mul3A_2, %add3A_95 : i32
    %dma_start3A_97 = arith.constant 0 : i32
    %dma_start3A_98 = tpu.memref_slice %arg4[%add3A_96, %dma_start3A_97] : memref<204800x128xf32, #tpu.memory_space<hbm>> -> memref<64x128xf32, #tpu.memory_space<hbm>>
    %dma_start3A_99 = arith.constant 0 : i32
    %dma_start3A_100 = tpu.memref_slice %arg4[%add3A_96, %dma_start3A_99] : memref<204800x128xf32, #tpu.memory_space<hbm>> -> memref<64x128xf32, #tpu.memory_space<hbm>>
    tpu.enqueue_dma source(%arg7 : memref<64x128xf32, #tpu.memory_space<vmem>>) target(%dma_start3A_100 : memref<64x128xf32, #tpu.memory_space<hbm>>) target_semaphore(%arg27 : memref<!tpu.dma_semaphore, #tpu.memory_space<semaphore_mem>>)
    %dma_wait3A_101 = arith.constant 92 : i32
    %dma_wait3A_102 = arith.constant 0 : i32
    %dma_wait3A_103 = tpu.memref_slice %arg5[%dma_wait3A_101, %dma_wait3A_102] : memref<100x64xi32, #tpu.memory_space<vmem>> -> memref<1x64xi32, #tpu.memory_space<vmem>>
    %dma_wait3A_104 = tpu.memref_squeeze %dma_wait3A_103 : memref<1x64xi32, #tpu.memory_space<vmem>> -> memref<64xi32, #tpu.memory_space<vmem>>
    %dma_wait3A_105 = arith.constant 0 : i32
    %dma_wait3A_106 = arith.constant 0 : i32
    %dma_wait3A_107 = tpu.memref_slice %arg3[%dma_wait3A_105, %dma_wait3A_106] : memref<100000x128xf32, #tpu.memory_space<hbm>> -> memref<100000x128xf32, #tpu.memory_space<hbm>>
    tpu.wait_indirect_dma semaphore(%arg18 : memref<!tpu.dma_semaphore, #tpu.memory_space<semaphore_mem>>) src(%dma_wait3A_107 : memref<100000x128xf32, #tpu.memory_space<hbm>>) dst(%arg8 : memref<64x128xf32, #tpu.memory_space<vmem>>)
    %add3A_108 = arith.constant 5888 : i32
    %add3A_109 = arith.addi %mul3A_2, %add3A_108 : i32
    %dma_start3A_110 = arith.constant 0 : i32
    %dma_start3A_111 = tpu.memref_slice %arg4[%add3A_109, %dma_start3A_110] : memref<204800x128xf32, #tpu.memory_space<hbm>> -> memref<64x128xf32, #tpu.memory_space<hbm>>
    %dma_start3A_112 = arith.constant 0 : i32
    %dma_start3A_113 = tpu.memref_slice %arg4[%add3A_109, %dma_start3A_112] : memref<204800x128xf32, #tpu.memory_space<hbm>> -> memref<64x128xf32, #tpu.memory_space<hbm>>
    tpu.enqueue_dma source(%arg8 : memref<64x128xf32, #tpu.memory_space<vmem>>) target(%dma_start3A_113 : memref<64x128xf32, #tpu.memory_space<hbm>>) target_semaphore(%arg28 : memref<!tpu.dma_semaphore, #tpu.memory_space<semaphore_mem>>)
    %dma_wait3A_114 = arith.constant 93 : i32
    %dma_wait3A_115 = arith.constant 0 : i32
    %dma_wait3A_116 = tpu.memref_slice %arg5[%dma_wait3A_114, %dma_wait3A_115] : memref<100x64xi32, #tpu.memory_space<vmem>> -> memref<1x64xi32, #tpu.memory_space<vmem>>
    %dma_wait3A_117 = tpu.memref_squeeze %dma_wait3A_116 : memref<1x64xi32, #tpu.memory_space<vmem>> -> memref<64xi32, #tpu.memory_space<vmem>>
    %dma_wait3A_118 = arith.constant 0 : i32
    %dma_wait3A_119 = arith.constant 0 : i32
    %dma_wait3A_120 = tpu.memref_slice %arg3[%dma_wait3A_118, %dma_wait3A_119] : memref<100000x128xf32, #tpu.memory_space<hbm>> -> memref<100000x128xf32, #tpu.memory_space<hbm>>
    tpu.wait_indirect_dma semaphore(%arg19 : memref<!tpu.dma_semaphore, #tpu.memory_space<semaphore_mem>>) src(%dma_wait3A_120 : memref<100000x128xf32, #tpu.memory_space<hbm>>) dst(%arg9 : memref<64x128xf32, #tpu.memory_space<vmem>>)
    %add3A_121 = arith.constant 5952 : i32
    %add3A_122 = arith.addi %mul3A_2, %add3A_121 : i32
    %dma_start3A_123 = arith.constant 0 : i32
    %dma_start3A_124 = tpu.memref_slice %arg4[%add3A_122, %dma_start3A_123] : memref<204800x128xf32, #tpu.memory_space<hbm>> -> memref<64x128xf32, #tpu.memory_space<hbm>>
    %dma_start3A_125 = arith.constant 0 : i32
    %dma_start3A_126 = tpu.memref_slice %arg4[%add3A_122, %dma_start3A_125] : memref<204800x128xf32, #tpu.memory_space<hbm>> -> memref<64x128xf32, #tpu.memory_space<hbm>>
    tpu.enqueue_dma source(%arg9 : memref<64x128xf32, #tpu.memory_space<vmem>>) target(%dma_start3A_126 : memref<64x128xf32, #tpu.memory_space<hbm>>) target_semaphore(%arg29 : memref<!tpu.dma_semaphore, #tpu.memory_space<semaphore_mem>>)
    %dma_wait3A_127 = arith.constant 94 : i32
    %dma_wait3A_128 = arith.constant 0 : i32
    %dma_wait3A_129 = tpu.memref_slice %arg5[%dma_wait3A_127, %dma_wait3A_128] : memref<100x64xi32, #tpu.memory_space<vmem>> -> memref<1x64xi32, #tpu.memory_space<vmem>>
    %dma_wait3A_130 = tpu.memref_squeeze %dma_wait3A_129 : memref<1x64xi32, #tpu.memory_space<vmem>> -> memref<64xi32, #tpu.memory_space<vmem>>
    %dma_wait3A_131 = arith.constant 0 : i32
    %dma_wait3A_132 = arith.constant 0 : i32
    %dma_wait3A_133 = tpu.memref_slice %arg3[%dma_wait3A_131, %dma_wait3A_132] : memref<100000x128xf32, #tpu.memory_space<hbm>> -> memref<100000x128xf32, #tpu.memory_space<hbm>>
    tpu.wait_indirect_dma semaphore(%arg20 : memref<!tpu.dma_semaphore, #tpu.memory_space<semaphore_mem>>) src(%dma_wait3A_133 : memref<100000x128xf32, #tpu.memory_space<hbm>>) dst(%arg10 : memref<64x128xf32, #tpu.memory_space<vmem>>)
    %add3A_134 = arith.constant 6016 : i32
    %add3A_135 = arith.addi %mul3A_2, %add3A_134 : i32
    %dma_start3A_136 = arith.constant 0 : i32
    %dma_start3A_137 = tpu.memref_slice %arg4[%add3A_135, %dma_start3A_136] : memref<204800x128xf32, #tpu.memory_space<hbm>> -> memref<64x128xf32, #tpu.memory_space<hbm>>
    %dma_start3A_138 = arith.constant 0 : i32
    %dma_start3A_139 = tpu.memref_slice %arg4[%add3A_135, %dma_start3A_138] : memref<204800x128xf32, #tpu.memory_space<hbm>> -> memref<64x128xf32, #tpu.memory_space<hbm>>
    tpu.enqueue_dma source(%arg10 : memref<64x128xf32, #tpu.memory_space<vmem>>) target(%dma_start3A_139 : memref<64x128xf32, #tpu.memory_space<hbm>>) target_semaphore(%arg30 : memref<!tpu.dma_semaphore, #tpu.memory_space<semaphore_mem>>)
    %dma_wait3A_140 = arith.constant 95 : i32
    %dma_wait3A_141 = arith.constant 0 : i32
    %dma_wait3A_142 = tpu.memref_slice %arg5[%dma_wait3A_140, %dma_wait3A_141] : memref<100x64xi32, #tpu.memory_space<vmem>> -> memref<1x64xi32, #tpu.memory_space<vmem>>
    %dma_wait3A_143 = tpu.memref_squeeze %dma_wait3A_142 : memref<1x64xi32, #tpu.memory_space<vmem>> -> memref<64xi32, #tpu.memory_space<vmem>>
    %dma_wait3A_144 = arith.constant 0 : i32
    %dma_wait3A_145 = arith.constant 0 : i32
    %dma_wait3A_146 = tpu.memref_slice %arg3[%dma_wait3A_144, %dma_wait3A_145] : memref<100000x128xf32, #tpu.memory_space<hbm>> -> memref<100000x128xf32, #tpu.memory_space<hbm>>
    tpu.wait_indirect_dma semaphore(%arg21 : memref<!tpu.dma_semaphore, #tpu.memory_space<semaphore_mem>>) src(%dma_wait3A_146 : memref<100000x128xf32, #tpu.memory_space<hbm>>) dst(%arg11 : memref<64x128xf32, #tpu.memory_space<vmem>>)
    %add3A_147 = arith.constant 6080 : i32
    %add3A_148 = arith.addi %mul3A_2, %add3A_147 : i32
    %dma_start3A_149 = arith.constant 0 : i32
    %dma_start3A_150 = tpu.memref_slice %arg4[%add3A_148, %dma_start3A_149] : memref<204800x128xf32, #tpu.memory_space<hbm>> -> memref<64x128xf32, #tpu.memory_space<hbm>>
    %dma_start3A_151 = arith.constant 0 : i32
    %dma_start3A_152 = tpu.memref_slice %arg4[%add3A_148, %dma_start3A_151] : memref<204800x128xf32, #tpu.memory_space<hbm>> -> memref<64x128xf32, #tpu.memory_space<hbm>>
    tpu.enqueue_dma source(%arg11 : memref<64x128xf32, #tpu.memory_space<vmem>>) target(%dma_start3A_152 : memref<64x128xf32, #tpu.memory_space<hbm>>) target_semaphore(%arg31 : memref<!tpu.dma_semaphore, #tpu.memory_space<semaphore_mem>>)
    %dma_wait3A_153 = arith.constant 96 : i32
    %dma_wait3A_154 = arith.constant 0 : i32
    %dma_wait3A_155 = tpu.memref_slice %arg5[%dma_wait3A_153, %dma_wait3A_154] : memref<100x64xi32, #tpu.memory_space<vmem>> -> memref<1x64xi32, #tpu.memory_space<vmem>>
    %dma_wait3A_156 = tpu.memref_squeeze %dma_wait3A_155 : memref<1x64xi32, #tpu.memory_space<vmem>> -> memref<64xi32, #tpu.memory_space<vmem>>
    %dma_wait3A_157 = arith.constant 0 : i32
    %dma_wait3A_158 = arith.constant 0 : i32
    %dma_wait3A_159 = tpu.memref_slice %arg3[%dma_wait3A_157, %dma_wait3A_158] : memref<100000x128xf32, #tpu.memory_space<hbm>> -> memref<100000x128xf32, #tpu.memory_space<hbm>>
    tpu.wait_indirect_dma semaphore(%arg22 : memref<!tpu.dma_semaphore, #tpu.memory_space<semaphore_mem>>) src(%dma_wait3A_159 : memref<100000x128xf32, #tpu.memory_space<hbm>>) dst(%arg12 : memref<64x128xf32, #tpu.memory_space<vmem>>)
    %add3A_160 = arith.constant 6144 : i32
    %add3A_161 = arith.addi %mul3A_2, %add3A_160 : i32
    %dma_start3A_162 = arith.constant 0 : i32
    %dma_start3A_163 = tpu.memref_slice %arg4[%add3A_161, %dma_start3A_162] : memref<204800x128xf32, #tpu.memory_space<hbm>> -> memref<64x128xf32, #tpu.memory_space<hbm>>
    %dma_start3A_164 = arith.constant 0 : i32
    %dma_start3A_165 = tpu.memref_slice %arg4[%add3A_161, %dma_start3A_164] : memref<204800x128xf32, #tpu.memory_space<hbm>> -> memref<64x128xf32, #tpu.memory_space<hbm>>
    tpu.enqueue_dma source(%arg12 : memref<64x128xf32, #tpu.memory_space<vmem>>) target(%dma_start3A_165 : memref<64x128xf32, #tpu.memory_space<hbm>>) target_semaphore(%arg32 : memref<!tpu.dma_semaphore, #tpu.memory_space<semaphore_mem>>)
    %dma_wait3A_166 = arith.constant 97 : i32
    %dma_wait3A_167 = arith.constant 0 : i32
    %dma_wait3A_168 = tpu.memref_slice %arg5[%dma_wait3A_166, %dma_wait3A_167] : memref<100x64xi32, #tpu.memory_space<vmem>> -> memref<1x64xi32, #tpu.memory_space<vmem>>
    %dma_wait3A_169 = tpu.memref_squeeze %dma_wait3A_168 : memref<1x64xi32, #tpu.memory_space<vmem>> -> memref<64xi32, #tpu.memory_space<vmem>>
    %dma_wait3A_170 = arith.constant 0 : i32
    %dma_wait3A_171 = arith.constant 0 : i32
    %dma_wait3A_172 = tpu.memref_slice %arg3[%dma_wait3A_170, %dma_wait3A_171] : memref<100000x128xf32, #tpu.memory_space<hbm>> -> memref<100000x128xf32, #tpu.memory_space<hbm>>
    tpu.wait_indirect_dma semaphore(%arg23 : memref<!tpu.dma_semaphore, #tpu.memory_space<semaphore_mem>>) src(%dma_wait3A_172 : memref<100000x128xf32, #tpu.memory_space<hbm>>) dst(%arg13 : memref<64x128xf32, #tpu.memory_space<vmem>>)
    %add3A_173 = arith.constant 6208 : i32
    %add3A_174 = arith.addi %mul3A_2, %add3A_173 : i32
    %dma_start3A_175 = arith.constant 0 : i32
    %dma_start3A_176 = tpu.memref_slice %arg4[%add3A_174, %dma_start3A_175] : memref<204800x128xf32, #tpu.memory_space<hbm>> -> memref<64x128xf32, #tpu.memory_space<hbm>>
    %dma_start3A_177 = arith.constant 0 : i32
    %dma_start3A_178 = tpu.memref_slice %arg4[%add3A_174, %dma_start3A_177] : memref<204800x128xf32, #tpu.memory_space<hbm>> -> memref<64x128xf32, #tpu.memory_space<hbm>>
    tpu.enqueue_dma source(%arg13 : memref<64x128xf32, #tpu.memory_space<vmem>>) target(%dma_start3A_178 : memref<64x128xf32, #tpu.memory_space<hbm>>) target_semaphore(%arg33 : memref<!tpu.dma_semaphore, #tpu.memory_space<semaphore_mem>>)
    %dma_wait3A_179 = arith.constant 98 : i32
    %dma_wait3A_180 = arith.constant 0 : i32
    %dma_wait3A_181 = tpu.memref_slice %arg5[%dma_wait3A_179, %dma_wait3A_180] : memref<100x64xi32, #tpu.memory_space<vmem>> -> memref<1x64xi32, #tpu.memory_space<vmem>>
    %dma_wait3A_182 = tpu.memref_squeeze %dma_wait3A_181 : memref<1x64xi32, #tpu.memory_space<vmem>> -> memref<64xi32, #tpu.memory_space<vmem>>
    %dma_wait3A_183 = arith.constant 0 : i32
    %dma_wait3A_184 = arith.constant 0 : i32
    %dma_wait3A_185 = tpu.memref_slice %arg3[%dma_wait3A_183, %dma_wait3A_184] : memref<100000x128xf32, #tpu.memory_space<hbm>> -> memref<100000x128xf32, #tpu.memory_space<hbm>>
    tpu.wait_indirect_dma semaphore(%arg24 : memref<!tpu.dma_semaphore, #tpu.memory_space<semaphore_mem>>) src(%dma_wait3A_185 : memref<100000x128xf32, #tpu.memory_space<hbm>>) dst(%arg14 : memref<64x128xf32, #tpu.memory_space<vmem>>)
    %add3A_186 = arith.constant 6272 : i32
    %add3A_187 = arith.addi %mul3A_2, %add3A_186 : i32
    %dma_start3A_188 = arith.constant 0 : i32
    %dma_start3A_189 = tpu.memref_slice %arg4[%add3A_187, %dma_start3A_188] : memref<204800x128xf32, #tpu.memory_space<hbm>> -> memref<64x128xf32, #tpu.memory_space<hbm>>
    %dma_start3A_190 = arith.constant 0 : i32
    %dma_start3A_191 = tpu.memref_slice %arg4[%add3A_187, %dma_start3A_190] : memref<204800x128xf32, #tpu.memory_space<hbm>> -> memref<64x128xf32, #tpu.memory_space<hbm>>
    tpu.enqueue_dma source(%arg14 : memref<64x128xf32, #tpu.memory_space<vmem>>) target(%dma_start3A_191 : memref<64x128xf32, #tpu.memory_space<hbm>>) target_semaphore(%arg34 : memref<!tpu.dma_semaphore, #tpu.memory_space<semaphore_mem>>)
    %dma_wait3A_192 = arith.constant 99 : i32
    %dma_wait3A_193 = arith.constant 0 : i32
    %dma_wait3A_194 = tpu.memref_slice %arg5[%dma_wait3A_192, %dma_wait3A_193] : memref<100x64xi32, #tpu.memory_space<vmem>> -> memref<1x64xi32, #tpu.memory_space<vmem>>
    %dma_wait3A_195 = tpu.memref_squeeze %dma_wait3A_194 : memref<1x64xi32, #tpu.memory_space<vmem>> -> memref<64xi32, #tpu.memory_space<vmem>>
    %dma_wait3A_196 = arith.constant 0 : i32
    %dma_wait3A_197 = arith.constant 0 : i32
    %dma_wait3A_198 = tpu.memref_slice %arg3[%dma_wait3A_196, %dma_wait3A_197] : memref<100000x128xf32, #tpu.memory_space<hbm>> -> memref<100000x128xf32, #tpu.memory_space<hbm>>
    tpu.wait_indirect_dma semaphore(%arg25 : memref<!tpu.dma_semaphore, #tpu.memory_space<semaphore_mem>>) src(%dma_wait3A_198 : memref<100000x128xf32, #tpu.memory_space<hbm>>) dst(%arg15 : memref<64x128xf32, #tpu.memory_space<vmem>>)
    %add3A_199 = arith.constant 6336 : i32
    %add3A_200 = arith.addi %mul3A_2, %add3A_199 : i32
    %dma_start3A_201 = arith.constant 0 : i32
    %dma_start3A_202 = tpu.memref_slice %arg4[%add3A_200, %dma_start3A_201] : memref<204800x128xf32, #tpu.memory_space<hbm>> -> memref<64x128xf32, #tpu.memory_space<hbm>>
    %dma_start3A_203 = arith.constant 0 : i32
    %dma_start3A_204 = tpu.memref_slice %arg4[%add3A_200, %dma_start3A_203] : memref<204800x128xf32, #tpu.memory_space<hbm>> -> memref<64x128xf32, #tpu.memory_space<hbm>>
    tpu.enqueue_dma source(%arg15 : memref<64x128xf32, #tpu.memory_space<vmem>>) target(%dma_start3A_204 : memref<64x128xf32, #tpu.memory_space<hbm>>) target_semaphore(%arg35 : memref<!tpu.dma_semaphore, #tpu.memory_space<semaphore_mem>>)
    %add3A_205 = arith.constant 5760 : i32
    %add3A_206 = arith.addi %mul3A_2, %add3A_205 : i32
    %dma_wait3A_207 = arith.constant 0 : i32
    %dma_wait3A_208 = tpu.memref_slice %arg4[%add3A_206, %dma_wait3A_207] : memref<204800x128xf32, #tpu.memory_space<hbm>> -> memref<64x128xf32, #tpu.memory_space<hbm>>
    %dma_wait3A_209 = arith.constant 0 : i32
    %dma_wait3A_210 = tpu.memref_slice %arg4[%add3A_206, %dma_wait3A_209] : memref<204800x128xf32, #tpu.memory_space<hbm>> -> memref<64x128xf32, #tpu.memory_space<hbm>>
    tpu.wait_dma2 semaphore(%arg26 : memref<!tpu.dma_semaphore, #tpu.memory_space<semaphore_mem>>) src(%arg6 : memref<64x128xf32, #tpu.memory_space<vmem>>) dst(%dma_wait3A_210 : memref<64x128xf32, #tpu.memory_space<hbm>>)
    %add3A_211 = arith.constant 5824 : i32
    %add3A_212 = arith.addi %mul3A_2, %add3A_211 : i32
    %dma_wait3A_213 = arith.constant 0 : i32
    %dma_wait3A_214 = tpu.memref_slice %arg4[%add3A_212, %dma_wait3A_213] : memref<204800x128xf32, #tpu.memory_space<hbm>> -> memref<64x128xf32, #tpu.memory_space<hbm>>
    %dma_wait3A_215 = arith.constant 0 : i32
    %dma_wait3A_216 = tpu.memref_slice %arg4[%add3A_212, %dma_wait3A_215] : memref<204800x128xf32, #tpu.memory_space<hbm>> -> memref<64x128xf32, #tpu.memory_space<hbm>>
    tpu.wait_dma2 semaphore(%arg27 : memref<!tpu.dma_semaphore, #tpu.memory_space<semaphore_mem>>) src(%arg7 : memref<64x128xf32, #tpu.memory_space<vmem>>) dst(%dma_wait3A_216 : memref<64x128xf32, #tpu.memory_space<hbm>>)
    %add3A_217 = arith.constant 5888 : i32
    %add3A_218 = arith.addi %mul3A_2, %add3A_217 : i32
    %dma_wait3A_219 = arith.constant 0 : i32
    %dma_wait3A_220 = tpu.memref_slice %arg4[%add3A_218, %dma_wait3A_219] : memref<204800x128xf32, #tpu.memory_space<hbm>> -> memref<64x128xf32, #tpu.memory_space<hbm>>
    %dma_wait3A_221 = arith.constant 0 : i32
    %dma_wait3A_222 = tpu.memref_slice %arg4[%add3A_218, %dma_wait3A_221] : memref<204800x128xf32, #tpu.memory_space<hbm>> -> memref<64x128xf32, #tpu.memory_space<hbm>>
    tpu.wait_dma2 semaphore(%arg28 : memref<!tpu.dma_semaphore, #tpu.memory_space<semaphore_mem>>) src(%arg8 : memref<64x128xf32, #tpu.memory_space<vmem>>) dst(%dma_wait3A_222 : memref<64x128xf32, #tpu.memory_space<hbm>>)
    %add3A_223 = arith.constant 5952 : i32
    %add3A_224 = arith.addi %mul3A_2, %add3A_223 : i32
    %dma_wait3A_225 = arith.constant 0 : i32
    %dma_wait3A_226 = tpu.memref_slice %arg4[%add3A_224, %dma_wait3A_225] : memref<204800x128xf32, #tpu.memory_space<hbm>> -> memref<64x128xf32, #tpu.memory_space<hbm>>
    %dma_wait3A_227 = arith.constant 0 : i32
    %dma_wait3A_228 = tpu.memref_slice %arg4[%add3A_224, %dma_wait3A_227] : memref<204800x128xf32, #tpu.memory_space<hbm>> -> memref<64x128xf32, #tpu.memory_space<hbm>>
    tpu.wait_dma2 semaphore(%arg29 : memref<!tpu.dma_semaphore, #tpu.memory_space<semaphore_mem>>) src(%arg9 : memref<64x128xf32, #tpu.memory_space<vmem>>) dst(%dma_wait3A_228 : memref<64x128xf32, #tpu.memory_space<hbm>>)
    %add3A_229 = arith.constant 6016 : i32
    %add3A_230 = arith.addi %mul3A_2, %add3A_229 : i32
    %dma_wait3A_231 = arith.constant 0 : i32
    %dma_wait3A_232 = tpu.memref_slice %arg4[%add3A_230, %dma_wait3A_231] : memref<204800x128xf32, #tpu.memory_space<hbm>> -> memref<64x128xf32, #tpu.memory_space<hbm>>
    %dma_wait3A_233 = arith.constant 0 : i32
    %dma_wait3A_234 = tpu.memref_slice %arg4[%add3A_230, %dma_wait3A_233] : memref<204800x128xf32, #tpu.memory_space<hbm>> -> memref<64x128xf32, #tpu.memory_space<hbm>>
    tpu.wait_dma2 semaphore(%arg30 : memref<!tpu.dma_semaphore, #tpu.memory_space<semaphore_mem>>) src(%arg10 : memref<64x128xf32, #tpu.memory_space<vmem>>) dst(%dma_wait3A_234 : memref<64x128xf32, #tpu.memory_space<hbm>>)
    %add3A_235 = arith.constant 6080 : i32
    %add3A_236 = arith.addi %mul3A_2, %add3A_235 : i32
    %dma_wait3A_237 = arith.constant 0 : i32
    %dma_wait3A_238 = tpu.memref_slice %arg4[%add3A_236, %dma_wait3A_237] : memref<204800x128xf32, #tpu.memory_space<hbm>> -> memref<64x128xf32, #tpu.memory_space<hbm>>
    %dma_wait3A_239 = arith.constant 0 : i32
    %dma_wait3A_240 = tpu.memref_slice %arg4[%add3A_236, %dma_wait3A_239] : memref<204800x128xf32, #tpu.memory_space<hbm>> -> memref<64x128xf32, #tpu.memory_space<hbm>>
    tpu.wait_dma2 semaphore(%arg31 : memref<!tpu.dma_semaphore, #tpu.memory_space<semaphore_mem>>) src(%arg11 : memref<64x128xf32, #tpu.memory_space<vmem>>) dst(%dma_wait3A_240 : memref<64x128xf32, #tpu.memory_space<hbm>>)
    %add3A_241 = arith.constant 6144 : i32
    %add3A_242 = arith.addi %mul3A_2, %add3A_241 : i32
    %dma_wait3A_243 = arith.constant 0 : i32
    %dma_wait3A_244 = tpu.memref_slice %arg4[%add3A_242, %dma_wait3A_243] : memref<204800x128xf32, #tpu.memory_space<hbm>> -> memref<64x128xf32, #tpu.memory_space<hbm>>
    %dma_wait3A_245 = arith.constant 0 : i32
    %dma_wait3A_246 = tpu.memref_slice %arg4[%add3A_242, %dma_wait3A_245] : memref<204800x128xf32, #tpu.memory_space<hbm>> -> memref<64x128xf32, #tpu.memory_space<hbm>>
    tpu.wait_dma2 semaphore(%arg32 : memref<!tpu.dma_semaphore, #tpu.memory_space<semaphore_mem>>) src(%arg12 : memref<64x128xf32, #tpu.memory_space<vmem>>) dst(%dma_wait3A_246 : memref<64x128xf32, #tpu.memory_space<hbm>>)
    %add3A_247 = arith.constant 6208 : i32
    %add3A_248 = arith.addi %mul3A_2, %add3A_247 : i32
    %dma_wait3A_249 = arith.constant 0 : i32
    %dma_wait3A_250 = tpu.memref_slice %arg4[%add3A_248, %dma_wait3A_249] : memref<204800x128xf32, #tpu.memory_space<hbm>> -> memref<64x128xf32, #tpu.memory_space<hbm>>
    %dma_wait3A_251 = arith.constant 0 : i32
    %dma_wait3A_252 = tpu.memref_slice %arg4[%add3A_248, %dma_wait3A_251] : memref<204800x128xf32, #tpu.memory_space<hbm>> -> memref<64x128xf32, #tpu.memory_space<hbm>>
    tpu.wait_dma2 semaphore(%arg33 : memref<!tpu.dma_semaphore, #tpu.memory_space<semaphore_mem>>) src(%arg13 : memref<64x128xf32, #tpu.memory_space<vmem>>) dst(%dma_wait3A_252 : memref<64x128xf32, #tpu.memory_space<hbm>>)
    %add3A_253 = arith.constant 6272 : i32
    %add3A_254 = arith.addi %mul3A_2, %add3A_253 : i32
    %dma_wait3A_255 = arith.constant 0 : i32
    %dma_wait3A_256 = tpu.memref_slice %arg4[%add3A_254, %dma_wait3A_255] : memref<204800x128xf32, #tpu.memory_space<hbm>> -> memref<64x128xf32, #tpu.memory_space<hbm>>
    %dma_wait3A_257 = arith.constant 0 : i32
    %dma_wait3A_258 = tpu.memref_slice %arg4[%add3A_254, %dma_wait3A_257] : memref<204800x128xf32, #tpu.memory_space<hbm>> -> memref<64x128xf32, #tpu.memory_space<hbm>>
    tpu.wait_dma2 semaphore(%arg34 : memref<!tpu.dma_semaphore, #tpu.memory_space<semaphore_mem>>) src(%arg14 : memref<64x128xf32, #tpu.memory_space<vmem>>) dst(%dma_wait3A_258 : memref<64x128xf32, #tpu.memory_space<hbm>>)
    %add3A_259 = arith.constant 6336 : i32
    %add3A_260 = arith.addi %mul3A_2, %add3A_259 : i32
    %dma_wait3A_261 = arith.constant 0 : i32
    %dma_wait3A_262 = tpu.memref_slice %arg4[%add3A_260, %dma_wait3A_261] : memref<204800x128xf32, #tpu.memory_space<hbm>> -> memref<64x128xf32, #tpu.memory_space<hbm>>
    %dma_wait3A_263 = arith.constant 0 : i32
    %dma_wait3A_264 = tpu.memref_slice %arg4[%add3A_260, %dma_wait3A_263] : memref<204800x128xf32, #tpu.memory_space<hbm>> -> memref<64x128xf32, #tpu.memory_space<hbm>>
    tpu.wait_dma2 semaphore(%arg35 : memref<!tpu.dma_semaphore, #tpu.memory_space<semaphore_mem>>) src(%arg15 : memref<64x128xf32, #tpu.memory_space<vmem>>) dst(%dma_wait3A_264 : memref<64x128xf32, #tpu.memory_space<hbm>>)
    return
  }
}

</mosaic_0001>

<sc_bundles>
// kernel: kernel.3.cloned.1.call-start
scs
__scs_entry_jumppad:
0x0: {  	(pc) =	sbr.rel $0x88, $3  }
0x1: {  	(tag) =	ssettag $0x0;
	lr =	simm.s32 $0x1  }
0x2: {  	[smem:$0x3F9F] =	sst lr;
	_ =	strace $0xD0000000  }
0x3: {  	_ = 	snop  }
0x4: {  	_ = 	snop  }
0x5: {  	_ = 	snop  }
0x6: {  	_ = 	snop  }
0x7: {  	_ = 	snop  }
__scs_overlays_trampoline_lowered:
0x8: {  	[smem:$0x3FAE] =	sst s0  }
0x9: {  	[smem:$0x3FAF] =	sst s1  }
0xa: {  	[smem:$0x3FB0] =	sst s2  }
0xb: {  	[smem:$0x3FB1] =	sst s3  }
0xc: {  	[smem:$0x3FB2] =	sst s4  }
0xd: {  	[smem:$0x3FB3] =	sst s5  }
0xe: {  	[smem:$0x3FB4] =	sst s6  }
0xf: {  	[smem:$0x3FB5] =	sst s7  }
0x10: {  	[smem:$0x3FB6] =	sst s8  }
0x11: {  	[smem:$0x3FB7] =	sst s9;
	s0 =	simm.s32 @!p0 $0x0  }
0x12: {  	s1 =	sld [smem:$0x3F9D];
	s0 =	simm.s32 @p0 $0x1  }
0x13: {  	[smem:$0x3FB8] =	sst s0;
	s0 =	simm.s32 @!p1 $0x0  }
0x14: {  	s2 =	sld [smem:$0x3F9C];
	s0 =	simm.s32 @p1 $0x1  }
0x15: {  	[smem:$0x3FB9] =	sst s0;
	s0 =	simm.s32 @!p2 $0x0  }
0x16: {  	s3 =	sld [smem:$0x3FDB];
	s0 =	simm.s32 @p2 $0x1  }
0x17: {  	s4 =	simm.s32 $0x1BF5;
	[smem:$0x3FBB] =	sst s0  }
0x18: {  	s0 =	sld [smem:$0x3F9E];
	_ =	swait.ge [sflag:s4], $0x0  }
0x19: {  	s7 =	sld [smem:$0x3F9F]  }
0x1a: {  	s8 =	sadd.s32 $0xFFFFE003, lr  }
0x1b: {  	s9 =	sadd.s32 $0xFFFFFEF7, lr;
	s5 =	simm.s32 $0xFFFFFFFF;
	p2 =	slt.u32 s8, $0xFFFFF086  }
0x1c: {  	p1 =	slt.u32 s9, $0xF7A;
	s5 =	simm.s32 @!p2 $0x0  }
0x1d: {  	s5 =	simm.s32 @p1 $0x1;
	p0 =	seq.s32 s7, s2  }
0x1e: {  	s7 =	smul.u32 @!p0 $0xF7A, s2;
	p2 =	seq.s32 @!p0 s5, $0x0  }
0x1f: {  	s9 =	smul.u32 $0xF7A, s1;
	s8 =	simm.s32 @!p0 $0x1BF5;
	p2 =	por !p2, p0  }
0x20: {  	[sflag:s8] =	ssyncset.s32 @!p0 $0xFFFFF086;
	s6 =	sadd.s32 @!p0 s3, s7;
	s7 =	simm.s32 @!p0 $0x108  }
0x21: {  	s3 =	sadd.s32 s3, s9;
	s6 =	sadd.s32 @!p0 $0x88, s6;
	s7 =	simm.s32 @p2 $0x1082  }
0x22: {  	[simem:s7], [sflag:s8] =	dma.local @!p0 [hbm:s6], $0xF7A  }
0x23: {  	s9 =	sor.u32 $0xD0000000, s2;
	s6 =	simm.s32 $0x108;
	_ =	swait.ge @!p0 [sflag:s8], $0x0  }
0x24: {  	s3 =	sadd.s32 $0x88, s3;
	s6 =	simm.s32 @!p1 $0x1082;
	[sflag:s4] =	ssyncset.s32 $0xFFFFF086  }
0x25: {  	[simem:s6], [sflag:s4] =	dma.local [hbm:s3], $0xF7A  }
0x26: {  	[smem:$0x3F9F] =	sst s1;
	(tag) =	ssettag s2;
	_ =	strace s9  }
0x27: {  	s1 =	sld [smem:$0x3FAF]  }
0x28: {  	s2 =	sld [smem:$0x3FB0]  }
0x29: {  	s4 =	sld [smem:$0x3FB2]  }
0x2a: {  	p0 =	seq.s32 s5, $0x0;
	s5 =	sld [smem:$0x3FB3]  }
0x2b: {  	s6 =	sld [smem:$0x3FB4]  }
0x2c: {  	s7 =	sld [smem:$0x3FB5]  }
0x2d: {  	s3 =	simm.s32 $0x108;
	s8 =	sld [smem:$0x3FB6]  }
0x2e: {  	s3 =	simm.s32 @!p0 $0x1082;
	s9 =	sld [smem:$0x3FB7]  }
0x2f: {  	lr =	sadd.s32 s0, s3;
	s0 =	sld [smem:$0x3FAE]  }
0x30: {  	s3 =	sld [smem:$0x3FB1]  }
0x31: {  	[smem:$0x3FBA] =	sst s10  }
0x32: {  	s10 =	sld [smem:$0x3FB8];
	_ =	sdelay $0x3  }
0x33: {  	p0 =	seq.s32 s10, $0x1;
	s10 =	sld [smem:$0x3FBA];
	_ =	sdelay $0x3  }
0x34: {  	[smem:$0x3FBA] =	sst s10  }
0x35: {  	s10 =	sld [smem:$0x3FB9];
	_ =	sdelay $0x3  }
0x36: {  	p1 =	seq.s32 s10, $0x1;
	s10 =	sld [smem:$0x3FBA];
	_ =	sdelay $0x3  }
0x37: {  	[smem:$0x3FBA] =	sst s10  }
0x38: {  	s10 =	sld [smem:$0x3FBB]  }
0x39: {  	_ = 	snop;
	(pc) =	sbr.ind lr, $3  }
0x3a: {  	_ = 	snop  }
0x3b: {  	_ = 	snop  }
0x3c: {  	p2 =	seq.s32 s10, $0x1;
	s10 =	sld [smem:$0x3FBA]  }
0x3d: {  	_ =	shalt  }
0x3e: {  	_ =	shalt  }
0x3f: {  	_ =	shalt  }
0x40: {  	_ =	shalt  }
0x41: {  	_ =	shalt  }
0x42: {  	_ =	shalt  }
0x43: {  	_ =	shalt  }
0x44: {  	_ =	shalt  }
0x45: {  	_ =	shalt  }
0x46: {  	_ =	shalt  }
0x47: {  	_ =	shalt  }
0x48: {  	_ =	shalt  }
0x49: {  	_ =	shalt  }
0x4a: {  	_ =	shalt  }
0x4b: {  	_ =	shalt  }
0x4c: {  	_ =	shalt  }
0x4d: {  	_ =	shalt  }
0x4e: {  	_ =	shalt  }
0x4f: {  	_ =	shalt  }
0x50: {  	_ =	shalt  }
0x51: {  	_ =	shalt  }
0x52: {  	_ =	shalt  }
0x53: {  	_ =	shalt  }
0x54: {  	_ =	shalt  }
0x55: {  	_ =	shalt  }
0x56: {  	_ =	shalt  }
0x57: {  	_ =	shalt  }
0x58: {  	_ =	shalt  }
0x59: {  	_ =	shalt  }
0x5a: {  	_ =	shalt  }
0x5b: {  	_ =	shalt  }
0x5c: {  	_ =	shalt  }
0x5d: {  	_ =	shalt  }
0x5e: {  	_ =	shalt  }
0x5f: {  	_ =	shalt  }
0x60: {  	_ =	shalt  }
0x61: {  	_ =	shalt  }
0x62: {  	_ =	shalt  }
0x63: {  	_ =	shalt  }
0x64: {  	_ =	shalt  }
0x65: {  	_ =	shalt  }
0x66: {  	_ =	shalt  }
0x67: {  	_ =	shalt  }
0x68: {  	_ =	shalt  }
0x69: {  	_ =	shalt  }
0x6a: {  	_ =	shalt  }
0x6b: {  	_ =	shalt  }
0x6c: {  	_ =	shalt  }
0x6d: {  	_ =	shalt  }
0x6e: {  	_ =	shalt  }
0x6f: {  	_ =	shalt  }
0x70: {  	_ =	shalt  }
0x71: {  	_ =	shalt  }
0x72: {  	_ =	shalt  }
0x73: {  	_ =	shalt  }
0x74: {  	_ =	shalt  }
0x75: {  	_ =	shalt  }
0x76: {  	_ =	shalt  }
0x77: {  	_ =	shalt  }
0x78: {  	_ =	shalt  }
0x79: {  	_ =	shalt  }
0x7a: {  	_ =	shalt  }
0x7b: {  	_ =	shalt  }
0x7c: {  	_ =	shalt  }
0x7d: {  	_ =	shalt  }
0x7e: {  	_ =	shalt  }
0x7f: {  	_ =	shalt  }
0x80: {  	_ =	shalt  }
0x81: {  	_ =	shalt  }
0x82: {  	_ =	shalt  }
0x83: {  	_ =	shalt  }
0x84: {  	_ =	shalt  }
0x85: {  	_ =	shalt  }
0x86: {  	_ =	shalt  }
0x87: {  	_ =	shalt  }
.Lfunc_end0:
.L_simem_size_0:
called_computation_lowered:
.L_overlay_start_0:
0x88: {  	s2 =	sld [smem:$0x3FD9]  }
0x89: {  	s3 =	sld [smem:$0x3FFE];
	_ =	sdelay $0x1  }
0x8a: {  	s1 =	srdreg.scid  }
0x8b: {  	s0 =	sand.u32 $0x1, s1  }
0x8c: {  	s17 =	sshll.u32 s0, $0xA;
	s2 =	sadd.s32 s3, s2  }
0x8d: {  	s2 =	sadd.s32 s2, s17  }
0x8e: {  	[smem:$0x3FC6] =	sst s2  }
0x8f: {  	_ = 	snop  }
0x90: {  	s2 =	sld [smem:$0x3FC8]  }
0x91: {  	s18 =	sld [smem:$0x3FD0];
	(tm) =	ssettm $0x1  }
0x92: {  	s4 =	sld [smem:$0x3FFB];
	_ =	sdelay $0x3  }
0x93: {  	_ =	strace s4  }
0x94: {  	s4 =	sld [smem:$0x3FFC];
	_ =	sdelay $0x3  }
0x95: {  	_ =	strace s4  }
0x96: {  	s4 =	sld [smem:$0x3FFD];
	_ =	sdelay $0x3  }
0x97: {  	_ =	strace s4  }
0x98: {  	_ =	strace $0x8FFFFFFF  }
0x99: {  	s19 =	sld [smem:$0x3FDB];
	_ =	sdelay $0x1  }
0x9a: {  	s5 =	simm.s32 $_scs_section_size  }
0x9b: {  	s6 =	simm.s32 $_size__tile_overlayer_lowered;
	s7 =	simm.s32 $_tile_overlayer_lowered  }
0x9c: {  	s22 =	simm.s32 $0x1BFF;
	s21 =	sshll.u32 s7, $0x1;
	s4 =	sadd.s32 s5, s19  }
0x9d: {  	s8 =	simm.s32 $0x0;
	s20 =	sshll.u32 s6, $0x1;
	s6 =	sadd.s32 s21, s4  }
0x9e: {  	[timem:s8], [sflag:s22] =	dma.local [hbm:s6], s20  }
0x9f: {  	_ =	swait.ge [sflag:s22], s20  }
0xa0: {  	s5 =	ssub.s32 $0x0, s20;
	[sflag:s22] =	ssyncset.done $0x0  }
0xa1: {  	[sflag:s22] =	ssyncadd.s32 s5;
	_ =	sdelay $0x1  }
0xa2: {  	s23 =	simm.s32 $0x1B8B  }
0xa3: {  	_ =	swait.ge [sflag:s23], $0x1  }
0xa4: {  	[sflag:s23] =	ssyncset.done $0x0  }
0xa5: {  	s25 =	simm.s32 $0x1B8E;
	s24 =	sld [smem:$0x3FFE];
	[sflag:s23] =	ssyncadd.s32 $0xFFFFFFFF  }
0xa6: {  	s26 =	simm.s32 $execute0_lowered;
	[smem:$0x3FD2] =	sst s25  }
0xa7: {  	s6 =	sshll.u32 s26, $0x1;
	_ =	strace $0x80000046;
	[dreg:$0x1] =	wrdreg $0xFFFFFFFF  }
0xa8: {  	s28 =	simm.s32 $_size_execute0_lowered;
	s4 =	sadd.s32 s4, s6;
	[dreg:$0x0] =	wrdreg $0x0  }
0xa9: {  	s6 =	sshll.u32 s28, $0x1;
	[dreg:$0x2] =	wrdreg s4  }
0xaa: {  	[dreg:$0x3] =	wrdreg s6  }
0xab: {  	[dreg:$0x4] =	wrdreg $0xC0  }
0xac: {  	_ =	task [dreg:s8], $0x5FFFF  }
0xad: {  	[dreg:$0x1] =	wrdreg $0xFFFFFFFF  }
0xae: {  	[dreg:$0x0] =	wrdreg $0x60  }
0xaf: {  	[dreg:$0x2] =	wrdreg s24  }
0xb0: {  	[dreg:$0x3] =	wrdreg s2  }
0xb1: {  	[dreg:$0x4] =	wrdreg s18  }
0xb2: {  	[dreg:$0x5] =	wrdreg $0x9  }
0xb3: {  	_ =	task.clear_ibuf [dreg:s8], $0x6FFFF;
	_ =	strace $0x90000046  }
0xb4: {  	s29 =	simm.s32 $0x9;
	_ =	strace $0x80000048  }
0xb5: {  	_ =	swait.ge [sflag:s29], $0x1  }
0xb6: {  	[sflag:s29] =	ssyncadd.s32 $0xFFFFFFFF  }
0xb7: {  	_ =	strace $0x90000048  }
0xb8: {  	_ =	sfence  }
0xb9: {  	s30 =	sld [smem:$0x0];
	_ =	sdelay $0x2  }
0xba: {  	s31 =	sshll.u32 s1, $0xD;
	s1 =	sshrl.u32 s1, $0x2  }
0xbb: {  	s3 =	sand.u32 $0x4000, s31;
	s1 =	sadd.s32 s1, s30  }
0xbc: {  	s0 =	sor.u32 s3, s0;
	s1 =	sshll.u32 s1, $0x11  }
0xbd: {  	s0 =	sor.u32 s1, s0  }
0xbe: {  	s0 =	sadd.s32 $0x8F2B, s0  }
0xbf: {  	[sflag:s0] =	ssyncadd.remote.s32 $0x1  }
0xc0: {  	_ =	sfence.sel $0xFFFF  }
0xc1: {  	[dreg:$0x0] =	wrdreg $0xFFFFFFFF;
	(pc) =	sbr.abs _section_cstart, $3  }
0xc2: {  	[dreg:$0x1] =	wrdreg $0xFFFFFFFF  }
0xc3: {  	_ =	task.clear_ibuf [dreg:s8], $0x2FFFF;
	_ =	strace $0x9FFFFFFF  }
0xc4: {  	(tm) =	ssettm $0x7FFFFFFF  }
0xc5: {  	_ =	shalt  }
tec
execute0_lowered:
.L_overlay_start_1:
0x0: {  	(tag) =	ssettag $0x1  }
0x1: {  	s0 =	rddreg [dreg:$0x0]  }
0x2: {  	s1 =	srdreg.scid;
	s2 =	rddreg [dreg:$0x1]  }
0x3: {  	s8 =	stileid.u32;
	s4 =	rddreg [dreg:$0x2]  }
0x4: {  	s9 =	simm.s32 $0xA;
	s1 =	sand.u32 $0x1, s1;
	s3 =	sshll.u32 s8, $0x1  }
0x5: {  	s10 =	simm.s32 $0xB;
	s11 =	simm.s32 $0xC;
	s5 =	sor.u32 s1, s3  }
0x6: {  	s12 =	simm.s32 $0xD;
	s13 =	simm.s32 $0xE;
	s6 =	smul.u32 $0xC8000, s5  }
0x7: {  	s14 =	simm.s32 $0xF;
	s3 =	simm.s32 $0x0;
	s5 =	smul.u32 $0x680, s5  }
0x8: {  	s15 =	simm.s32 $0x10;
	s7 =	ssub.s32 $0x2, s1;
	[smem:$0x7FF] =	sst s3  }
0x9: {  	s18 =	sshrl.u32 s7, $0x1;
	_ =	strace $0x80000047;
	s0 =	sadd.s32 s5, s0  }
0xa: {  	s6 =	sshrl.u32 s6, $0x3;
	s5 =	ssub.s32 s7, s18;
	s0 =	sadd.s32 $0x400, s0  }
0xb: {  	s6 =	sadd.s32 s4, s6;
	s31 =	smax.u32 s5, $0x1;
	[dreg:$0x4] =	wrdreg s0  }
0xc: {  	s17 =	simm.s32 $0x11;
	s19 =	sadd.s32 $0x16800, s6;
	[dreg:$0xf] =	wrdreg s31  }
0xd: {  	s16 =	simm.s32 $0x12;
	s20 =	sadd.s32 $0x16C00, s6;
	[dreg:$0x5] =	wrdreg s19  }
0xe: {  	s22 =	smul.u32 $0x32000, s8;
	s21 =	sadd.s32 $0x17000, s6;
	[dreg:$0x6] =	wrdreg s20  }
0xf: {  	s8 =	simm.s32 $0x9;
	s23 =	sadd.s32 $0x17400, s6;
	[dreg:$0x7] =	wrdreg s21  }
0x10: {  	s1 =	smul.u32 $0x19000, s1;
	s24 =	sadd.s32 $0x17800, s6;
	[dreg:$0x8] =	wrdreg s23  }
0x11: {  	s18 =	simm.s32 $0x40;
	s25 =	sadd.s32 $0x17C00, s6;
	[dreg:$0x9] =	wrdreg s24  }
0x12: {  	s7 =	simm.s32 $0x8;
	s26 =	sadd.s32 $0x18000, s6;
	[dreg:$0xa] =	wrdreg s25  }
0x13: {  	s0 =	sadd.s32 s22, s4;
	s28 =	sadd.s32 $0x18400, s6;
	[dreg:$0xb] =	wrdreg s26  }
0x14: {  	s29 =	sadd.s32 $0x18800, s6;
	s30 =	sadd.s32 $0x18C00, s6;
	[dreg:$0xc] =	wrdreg s28  }
0x15: {  	s6 =	simm.s32 $0x7;
	[dreg:$0xd] =	wrdreg s29;
	s0 =	sadd.s32 s1, s0  }
0x16: {  	[dreg:$0xe] =	wrdreg s30;
	s19 =	simm.s32 $0x13;
	s0 =	sadd.s32 $0x2400, s0  }
0x17: {  	s21 =	simm.s32 $0x14;
	[dreg:$0x10] =	wrdreg s0;
	s0 =	simm.s32 $0x0  }
.LBB2_1:
0x18: {  	[dreg:$0x11] =	wrdreg s0  }
0x19: {  	s23 =	rddreg [dreg:$0x4];
	s26 =	simm.s32 $0x15  }
0x1a: {  	[tilespmem:s3], [sflag:$0x15] =	stream.linear.gather [hbm4b:s23+s3], $0x3200, $0x38;
	[tilespmem:$0x17400] =	vst v63  }
0x1b: {  	_ =	swait.ge [sflag:s26], $0x3200  }
0x1c: {  	[sflag:s26] =	ssyncset.done $0x0  }
0x1d: {  	s1 =	simm.s32 $0x3400;
	[sflag:s26] =	ssyncadd.s32 $0xFFFFCE00  }
0x1e: {  	[tilespmem:s1], [sflag:$0x1] =	stream.indirect.gather [hbm4b:s2+s18], $0x80, s3, s18, $0xb8;
	[tilespmem:$0x17400] =	vst v63  }
0x1f: {  	s20 =	simm.s32 $0x80;
	s24 =	simm.s32 $0x5400  }
0x20: {  	[tilespmem:s24], [sflag:$0x2] =	stream.indirect.gather [hbm4b:s2+s18], $0x80, s20, s18, $0xb8;
	[tilespmem:$0x17400] =	vst v63  }
0x21: {  	s29 =	simm.s32 $0x100;
	s28 =	simm.s32 $0x7400  }
0x22: {  	[tilespmem:s28], [sflag:$0x3] =	stream.indirect.gather [hbm4b:s2+s18], $0x80, s29, s18, $0xb8;
	[tilespmem:$0x17400] =	vst v63  }
0x23: {  	s30 =	simm.s32 $0x180;
	s29 =	simm.s32 $0x9400  }
0x24: {  	[tilespmem:s29], [sflag:$0x4] =	stream.indirect.gather [hbm4b:s2+s18], $0x80, s30, s18, $0xb8;
	[tilespmem:$0x17400] =	vst v63  }
0x25: {  	s31 =	simm.s32 $0x200;
	s0 =	simm.s32 $0xB400  }
0x26: {  	[tilespmem:s0], [sflag:$0x5] =	stream.indirect.gather [hbm4b:s2+s18], $0x80, s31, s18, $0xb8;
	[tilespmem:$0x17400] =	vst v63  }
0x27: {  	s4 =	simm.s32 $0x280;
	s22 =	simm.s32 $0xD400  }
0x28: {  	[tilespmem:s22], [sflag:$0x6] =	stream.indirect.gather [hbm4b:s2+s18], $0x80, s4, s18, $0xb8;
	[tilespmem:$0x17400] =	vst v63  }
0x29: {  	s5 =	simm.s32 $0x300;
	s26 =	simm.s32 $0xF400  }
0x2a: {  	[tilespmem:s26], [sflag:$0x7] =	stream.indirect.gather [hbm4b:s2+s18], $0x80, s5, s18, $0xb8;
	[tilespmem:$0x17400] =	vst v63  }
0x2b: {  	s23 =	simm.s32 $0x380;
	s30 =	simm.s32 $0x11400  }
0x2c: {  	[tilespmem:s30], [sflag:$0x8] =	stream.indirect.gather [hbm4b:s2+s18], $0x80, s23, s18, $0xb8;
	[tilespmem:$0x17400] =	vst v63  }
0x2d: {  	s20 =	simm.s32 $0x13400;
	s4 =	simm.s32 $0x400  }
0x2e: {  	[tilespmem:s20], [sflag:$0x9] =	stream.indirect.gather [hbm4b:s2+s18], $0x80, s4, s18, $0xb8;
	[tilespmem:$0x17400] =	vst v63  }
0x2f: {  	s25 =	simm.s32 $0x480;
	s31 =	simm.s32 $0x1;
	s5 =	simm.s32 $0x15400  }
0x30: {  	[tilespmem:s5], [sflag:$0xA] =	stream.indirect.gather [hbm4b:s2+s18], $0x80, s25, s18, $0xb8;
	[tilespmem:$0x17400] =	vst v63  }
0x31: {  	_ =	swait.ge [sflag:s31], $0x2000  }
0x32: {  	[sflag:s31] =	ssyncset.done $0x0;
	s25 =	rddreg [dreg:$0x10]  }
0x33: {  	[sflag:s31] =	ssyncadd.s32 $0xFFFFE000;
	s4 =	sadd.s32 $0xFFFFDC00, s25;
	s31 =	simm.s32 $0x2  }
0x34: {  	[hbm4b:s4+s3] =	stream.linear.scatter [tilespmem:s1], [sflag:$0xB], $0x2000, $0x38;
	[tilespmem:$0x17400] =	vst v63  }
0x35: {  	_ =	swait.ge [sflag:s31], $0x2000  }
0x36: {  	[sflag:s31] =	ssyncset.done $0x0  }
0x37: {  	s4 =	sadd.s32 $0xFFFFE000, s25;
	[sflag:s31] =	ssyncadd.s32 $0xFFFFE000;
	s31 =	simm.s32 $0x3  }
0x38: {  	[hbm4b:s4+s3] =	stream.linear.scatter [tilespmem:s24], [sflag:$0xC], $0x2000, $0x38;
	[tilespmem:$0x17400] =	vst v63  }
0x39: {  	_ =	swait.ge [sflag:s31], $0x2000  }
0x3a: {  	[sflag:s31] =	ssyncset.done $0x0  }
0x3b: {  	s4 =	sadd.s32 $0xFFFFE400, s25;
	[sflag:s31] =	ssyncadd.s32 $0xFFFFE000;
	s31 =	simm.s32 $0x4  }
0x3c: {  	[hbm4b:s4+s3] =	stream.linear.scatter [tilespmem:s28], [sflag:$0xD], $0x2000, $0x38;
	[tilespmem:$0x17400] =	vst v63  }
0x3d: {  	_ =	swait.ge [sflag:s31], $0x2000  }
0x3e: {  	[sflag:s31] =	ssyncset.done $0x0  }
0x3f: {  	s4 =	sadd.s32 $0xFFFFE800, s25;
	[sflag:s31] =	ssyncadd.s32 $0xFFFFE000;
	s31 =	simm.s32 $0x5  }
0x40: {  	[hbm4b:s4+s3] =	stream.linear.scatter [tilespmem:s29], [sflag:$0xE], $0x2000, $0x38;
	[tilespmem:$0x17400] =	vst v63  }
0x41: {  	_ =	swait.ge [sflag:s31], $0x2000  }
0x42: {  	[sflag:s31] =	ssyncset.done $0x0  }
0x43: {  	s4 =	sadd.s32 $0xFFFFEC00, s25;
	[sflag:s31] =	ssyncadd.s32 $0xFFFFE000;
	s31 =	simm.s32 $0x6  }
0x44: {  	[hbm4b:s4+s3] =	stream.linear.scatter [tilespmem:s0], [sflag:$0xF], $0x2000, $0x38;
	[tilespmem:$0x17400] =	vst v63  }
0x45: {  	_ =	swait.ge [sflag:s31], $0x2000  }
0x46: {  	[sflag:s31] =	ssyncset.done $0x0  }
0x47: {  	s4 =	sadd.s32 $0xFFFFF000, s25;
	[sflag:s31] =	ssyncadd.s32 $0xFFFFE000  }
0x48: {  	[hbm4b:s4+s3] =	stream.linear.scatter [tilespmem:s22], [sflag:$0x10], $0x2000, $0x38;
	[tilespmem:$0x17400] =	vst v63  }
0x49: {  	_ =	swait.ge [sflag:s6], $0x2000  }
0x4a: {  	[sflag:s6] =	ssyncset.done $0x0  }
0x4b: {  	s31 =	sadd.s32 $0xFFFFF400, s25;
	[sflag:s6] =	ssyncadd.s32 $0xFFFFE000  }
0x4c: {  	[hbm4b:s31+s3] =	stream.linear.scatter [tilespmem:s26], [sflag:$0x11], $0x2000, $0x38;
	[tilespmem:$0x17400] =	vst v63  }
0x4d: {  	_ =	swait.ge [sflag:s7], $0x2000  }
0x4e: {  	[sflag:s7] =	ssyncset.done $0x0  }
0x4f: {  	s4 =	sadd.s32 $0xFFFFF800, s25;
	[sflag:s7] =	ssyncadd.s32 $0xFFFFE000  }
0x50: {  	[hbm4b:s4+s3] =	stream.linear.scatter [tilespmem:s30], [sflag:$0x12], $0x2000, $0x38;
	[tilespmem:$0x17400] =	vst v63  }
0x51: {  	_ =	swait.ge [sflag:s8], $0x2000  }
0x52: {  	[sflag:s8] =	ssyncset.done $0x0  }
0x53: {  	s31 =	sadd.s32 $0xFFFFFC00, s25;
	[sflag:s8] =	ssyncadd.s32 $0xFFFFE000  }
0x54: {  	[hbm4b:s31+s3] =	stream.linear.scatter [tilespmem:s20], [sflag:$0x13], $0x2000, $0x38;
	[tilespmem:$0x17400] =	vst v63  }
0x55: {  	_ =	swait.ge [sflag:s9], $0x2000  }
0x56: {  	[sflag:s9] =	ssyncset.done $0x0  }
0x57: {  	[sflag:s9] =	ssyncadd.s32 $0xFFFFE000  }
0x58: {  	[hbm4b:s25+s3] =	stream.linear.scatter [tilespmem:s5], [sflag:$0x14], $0x2000, $0x38;
	[tilespmem:$0x17400] =	vst v63  }
0x59: {  	_ =	swait.ge [sflag:s10], $0x2000  }
0x5a: {  	[sflag:s10] =	ssyncset.done $0x0  }
0x5b: {  	s4 =	simm.s32 $0x500;
	[sflag:s10] =	ssyncadd.s32 $0xFFFFE000  }
0x5c: {  	[tilespmem:s1], [sflag:$0x1] =	stream.indirect.gather [hbm4b:s2+s18], $0x80, s4, s18, $0xb8;
	[tilespmem:$0x17400] =	vst v63  }
0x5d: {  	_ =	swait.ge [sflag:s11], $0x2000  }
0x5e: {  	[sflag:s11] =	ssyncset.done $0x0  }
0x5f: {  	s5 =	simm.s32 $0x580;
	[sflag:s11] =	ssyncadd.s32 $0xFFFFE000  }
0x60: {  	[tilespmem:s24], [sflag:$0x2] =	stream.indirect.gather [hbm4b:s2+s18], $0x80, s5, s18, $0xb8;
	[tilespmem:$0x17400] =	vst v63  }
0x61: {  	_ =	swait.ge [sflag:s12], $0x2000  }
0x62: {  	[sflag:s12] =	ssyncset.done $0x0  }
0x63: {  	s31 =	simm.s32 $0x600;
	[sflag:s12] =	ssyncadd.s32 $0xFFFFE000  }
0x64: {  	[tilespmem:s28], [sflag:$0x3] =	stream.indirect.gather [hbm4b:s2+s18], $0x80, s31, s18, $0xb8;
	[tilespmem:$0x17400] =	vst v63  }
0x65: {  	_ =	swait.ge [sflag:s13], $0x2000  }
0x66: {  	[sflag:s13] =	ssyncset.done $0x0  }
0x67: {  	s1 =	simm.s32 $0x680;
	[sflag:s13] =	ssyncadd.s32 $0xFFFFE000  }
0x68: {  	[tilespmem:s29], [sflag:$0x4] =	stream.indirect.gather [hbm4b:s2+s18], $0x80, s1, s18, $0xb8;
	[tilespmem:$0x17400] =	vst v63  }
0x69: {  	_ =	swait.ge [sflag:s14], $0x2000  }
0x6a: {  	[sflag:s14] =	ssyncset.done $0x0  }
0x6b: {  	s4 =	simm.s32 $0x700;
	[sflag:s14] =	ssyncadd.s32 $0xFFFFE000  }
0x6c: {  	[tilespmem:s0], [sflag:$0x5] =	stream.indirect.gather [hbm4b:s2+s18], $0x80, s4, s18, $0xb8;
	[tilespmem:$0x17400] =	vst v63  }
0x6d: {  	_ =	swait.ge [sflag:s15], $0x2000  }
0x6e: {  	[sflag:s15] =	ssyncset.done $0x0  }
0x6f: {  	s5 =	simm.s32 $0x780;
	[sflag:s15] =	ssyncadd.s32 $0xFFFFE000  }
0x70: {  	[tilespmem:s22], [sflag:$0x6] =	stream.indirect.gather [hbm4b:s2+s18], $0x80, s5, s18, $0xb8;
	[tilespmem:$0x17400] =	vst v63  }
0x71: {  	_ =	swait.ge [sflag:s17], $0x2000  }
0x72: {  	[sflag:s17] =	ssyncset.done $0x0  }
0x73: {  	s24 =	simm.s32 $0x800;
	[sflag:s17] =	ssyncadd.s32 $0xFFFFE000  }
0x74: {  	[tilespmem:s26], [sflag:$0x7] =	stream.indirect.gather [hbm4b:s2+s18], $0x80, s24, s18, $0xb8;
	[tilespmem:$0x17400] =	vst v63  }
0x75: {  	_ =	swait.ge [sflag:s16], $0x2000  }
0x76: {  	[sflag:s16] =	ssyncset.done $0x0  }
0x77: {  	s29 =	simm.s32 $0x880;
	[sflag:s16] =	ssyncadd.s32 $0xFFFFE000  }
0x78: {  	[tilespmem:s30], [sflag:$0x8] =	stream.indirect.gather [hbm4b:s2+s18], $0x80, s29, s18, $0xb8;
	[tilespmem:$0x17400] =	vst v63  }
0x79: {  	_ =	swait.ge [sflag:s19], $0x2000  }
0x7a: {  	[sflag:s19] =	ssyncset.done $0x0  }
0x7b: {  	s31 =	simm.s32 $0x900;
	[sflag:s19] =	ssyncadd.s32 $0xFFFFE000  }
0x7c: {  	[tilespmem:s20], [sflag:$0x9] =	stream.indirect.gather [hbm4b:s2+s18], $0x80, s31, s18, $0xb8;
	[tilespmem:$0x17400] =	vst v63  }
0x7d: {  	_ =	swait.ge [sflag:s21], $0x2000  }
0x7e: {  	s23 =	simm.s32 $0x1400;
	[sflag:s21] =	ssyncset.done $0x0  }
0x7f: {  	s25 =	sadd.s32 $0x2800, s25;
	s28 =	simm.s32 $0x980;
	[sflag:s21] =	ssyncadd.s32 $0xFFFFE000  }
.LBB2_2:
0x80: {  	s20 =	simm.s32 $0x15400  }
0x81: {  	[tilespmem:s20], [sflag:$0xA] =	stream.indirect.gather [hbm4b:s2+s18], $0x80, s28, s18, $0xb8;
	[tilespmem:$0x17400] =	vst v63  }
0x82: {  	s0 =	simm.s32 $0x1;
	s28 =	smov.u32 s23  }
0x83: {  	p0 =	sne.s32 s23, $0xA000;
	s23 =	sadd.s32 $0x1400, s23;
	_ =	swait.ge [sflag:s0], $0x2000  }
0x84: {  	s30 =	sadd.s32 $0xFFFFDC00, s25;
	[sflag:s0] =	ssyncset.done $0x0  }
0x85: {  	s1 =	simm.s32 $0x3400;
	[sflag:s0] =	ssyncadd.s32 $0xFFFFE000;
	s0 =	simm.s32 $0x2  }
0x86: {  	[hbm4b:s30+s3] =	stream.linear.scatter [tilespmem:s1], [sflag:$0xB], $0x2000, $0x38;
	[tilespmem:$0x17400] =	vst v63  }
0x87: {  	_ =	swait.ge [sflag:s0], $0x2000  }
0x88: {  	s24 =	simm.s32 $0x5400;
	[sflag:s0] =	ssyncset.done $0x0  }
0x89: {  	s30 =	sadd.s32 $0xFFFFE000, s25;
	[sflag:s0] =	ssyncadd.s32 $0xFFFFE000;
	s0 =	simm.s32 $0x3  }
0x8a: {  	[hbm4b:s30+s3] =	stream.linear.scatter [tilespmem:s24], [sflag:$0xC], $0x2000, $0x38;
	[tilespmem:$0x17400] =	vst v63  }
0x8b: {  	_ =	swait.ge [sflag:s0], $0x2000  }
0x8c: {  	s29 =	simm.s32 $0x7400;
	[sflag:s0] =	ssyncset.done $0x0  }
0x8d: {  	s30 =	sadd.s32 $0xFFFFE400, s25;
	[sflag:s0] =	ssyncadd.s32 $0xFFFFE000;
	s0 =	simm.s32 $0x4  }
0x8e: {  	[hbm4b:s30+s3] =	stream.linear.scatter [tilespmem:s29], [sflag:$0xD], $0x2000, $0x38;
	[tilespmem:$0x17400] =	vst v63  }
0x8f: {  	_ =	swait.ge [sflag:s0], $0x2000  }
0x90: {  	s31 =	simm.s32 $0x9400;
	[sflag:s0] =	ssyncset.done $0x0  }
0x91: {  	s30 =	sadd.s32 $0xFFFFE800, s25;
	[sflag:s0] =	ssyncadd.s32 $0xFFFFE000;
	s0 =	simm.s32 $0x5  }
0x92: {  	[hbm4b:s30+s3] =	stream.linear.scatter [tilespmem:s31], [sflag:$0xE], $0x2000, $0x38;
	[tilespmem:$0x17400] =	vst v63  }
0x93: {  	_ =	swait.ge [sflag:s0], $0x2000  }
0x94: {  	s4 =	simm.s32 $0x6;
	[sflag:s0] =	ssyncset.done $0x0  }
0x95: {  	s30 =	sadd.s32 $0xFFFFEC00, s25;
	[sflag:s0] =	ssyncadd.s32 $0xFFFFE000;
	s0 =	simm.s32 $0xB400  }
0x96: {  	[hbm4b:s30+s3] =	stream.linear.scatter [tilespmem:s0], [sflag:$0xF], $0x2000, $0x38;
	[tilespmem:$0x17400] =	vst v63  }
0x97: {  	_ =	swait.ge [sflag:s4], $0x2000  }
0x98: {  	[sflag:s4] =	ssyncset.done $0x0  }
0x99: {  	s22 =	simm.s32 $0xD400;
	s30 =	sadd.s32 $0xFFFFF000, s25;
	[sflag:s4] =	ssyncadd.s32 $0xFFFFE000  }
0x9a: {  	[hbm4b:s30+s3] =	stream.linear.scatter [tilespmem:s22], [sflag:$0x10], $0x2000, $0x38;
	[tilespmem:$0x17400] =	vst v63  }
0x9b: {  	_ =	swait.ge [sflag:s6], $0x2000  }
0x9c: {  	[sflag:s6] =	ssyncset.done $0x0  }
0x9d: {  	s26 =	simm.s32 $0xF400;
	s30 =	sadd.s32 $0xFFFFF400, s25;
	[sflag:s6] =	ssyncadd.s32 $0xFFFFE000  }
0x9e: {  	[hbm4b:s30+s3] =	stream.linear.scatter [tilespmem:s26], [sflag:$0x11], $0x2000, $0x38;
	[tilespmem:$0x17400] =	vst v63  }
0x9f: {  	_ =	swait.ge [sflag:s7], $0x2000  }
0xa0: {  	[sflag:s7] =	ssyncset.done $0x0  }
0xa1: {  	s4 =	simm.s32 $0x11400;
	s30 =	sadd.s32 $0xFFFFF800, s25;
	[sflag:s7] =	ssyncadd.s32 $0xFFFFE000  }
0xa2: {  	[hbm4b:s30+s3] =	stream.linear.scatter [tilespmem:s4], [sflag:$0x12], $0x2000, $0x38;
	[tilespmem:$0x17400] =	vst v63  }
0xa3: {  	_ =	swait.ge [sflag:s8], $0x2000  }
0xa4: {  	[sflag:s8] =	ssyncset.done $0x0  }
0xa5: {  	s5 =	simm.s32 $0x13400;
	s30 =	sadd.s32 $0xFFFFFC00, s25;
	[sflag:s8] =	ssyncadd.s32 $0xFFFFE000  }
0xa6: {  	[hbm4b:s30+s3] =	stream.linear.scatter [tilespmem:s5], [sflag:$0x13], $0x2000, $0x38;
	[tilespmem:$0x17400] =	vst v63  }
0xa7: {  	_ =	swait.ge [sflag:s9], $0x2000  }
0xa8: {  	[sflag:s9] =	ssyncset.done $0x0  }
0xa9: {  	[sflag:s9] =	ssyncadd.s32 $0xFFFFE000  }
0xaa: {  	[hbm4b:s25+s3] =	stream.linear.scatter [tilespmem:s20], [sflag:$0x14], $0x2000, $0x38;
	[tilespmem:$0x17400] =	vst v63  }
0xab: {  	_ =	swait.ge [sflag:s10], $0x2000  }
0xac: {  	s28 =	sshra.s32 s28, $0x2;
	[sflag:s10] =	ssyncset.done $0x0  }
0xad: {  	s30 =	sadd.s32 $0x500, s28;
	s20 =	simm.s32 $0x3400;
	[sflag:s10] =	ssyncadd.s32 $0xFFFFE000  }
0xae: {  	[tilespmem:s1], [sflag:$0x1] =	stream.indirect.gather [hbm4b:s2+s18], $0x80, s30, s18, $0xb8;
	[tilespmem:$0x17400] =	vst v63  }
0xaf: {  	_ =	swait.ge [sflag:s11], $0x2000  }
0xb0: {  	[sflag:s11] =	ssyncset.done $0x0  }
0xb1: {  	s30 =	sadd.s32 $0x580, s28;
	s1 =	simm.s32 $0x5400;
	[sflag:s11] =	ssyncadd.s32 $0xFFFFE000  }
0xb2: {  	[tilespmem:s24], [sflag:$0x2] =	stream.indirect.gather [hbm4b:s2+s18], $0x80, s30, s18, $0xb8;
	[tilespmem:$0x17400] =	vst v63  }
0xb3: {  	_ =	swait.ge [sflag:s12], $0x2000  }
0xb4: {  	[sflag:s12] =	ssyncset.done $0x0  }
0xb5: {  	s30 =	sadd.s32 $0x600, s28;
	s24 =	simm.s32 $0x7400;
	[sflag:s12] =	ssyncadd.s32 $0xFFFFE000  }
0xb6: {  	[tilespmem:s29], [sflag:$0x3] =	stream.indirect.gather [hbm4b:s2+s18], $0x80, s30, s18, $0xb8;
	[tilespmem:$0x17400] =	vst v63  }
0xb7: {  	_ =	swait.ge [sflag:s13], $0x2000  }
0xb8: {  	[sflag:s13] =	ssyncset.done $0x0  }
0xb9: {  	s30 =	sadd.s32 $0x680, s28;
	s29 =	simm.s32 $0x9400;
	[sflag:s13] =	ssyncadd.s32 $0xFFFFE000  }
0xba: {  	[tilespmem:s31], [sflag:$0x4] =	stream.indirect.gather [hbm4b:s2+s18], $0x80, s30, s18, $0xb8;
	[tilespmem:$0x17400] =	vst v63  }
0xbb: {  	_ =	swait.ge [sflag:s14], $0x2000  }
0xbc: {  	[sflag:s14] =	ssyncset.done $0x0  }
0xbd: {  	s30 =	sadd.s32 $0x700, s28;
	s31 =	simm.s32 $0xB400;
	[sflag:s14] =	ssyncadd.s32 $0xFFFFE000  }
0xbe: {  	[tilespmem:s0], [sflag:$0x5] =	stream.indirect.gather [hbm4b:s2+s18], $0x80, s30, s18, $0xb8;
	[tilespmem:$0x17400] =	vst v63  }
0xbf: {  	_ =	swait.ge [sflag:s15], $0x2000  }
0xc0: {  	[sflag:s15] =	ssyncset.done $0x0  }
0xc1: {  	s30 =	sadd.s32 $0x780, s28;
	s0 =	simm.s32 $0xD400;
	[sflag:s15] =	ssyncadd.s32 $0xFFFFE000  }
0xc2: {  	[tilespmem:s22], [sflag:$0x6] =	stream.indirect.gather [hbm4b:s2+s18], $0x80, s30, s18, $0xb8;
	[tilespmem:$0x17400] =	vst v63  }
0xc3: {  	_ =	swait.ge [sflag:s17], $0x2000  }
0xc4: {  	[sflag:s17] =	ssyncset.done $0x0  }
0xc5: {  	s30 =	sadd.s32 $0x800, s28;
	s22 =	simm.s32 $0xF400;
	[sflag:s17] =	ssyncadd.s32 $0xFFFFE000  }
0xc6: {  	[tilespmem:s26], [sflag:$0x7] =	stream.indirect.gather [hbm4b:s2+s18], $0x80, s30, s18, $0xb8;
	[tilespmem:$0x17400] =	vst v63  }
0xc7: {  	_ =	swait.ge [sflag:s16], $0x2000  }
0xc8: {  	[sflag:s16] =	ssyncset.done $0x0  }
0xc9: {  	s30 =	sadd.s32 $0x880, s28;
	s26 =	simm.s32 $0x11400;
	[sflag:s16] =	ssyncadd.s32 $0xFFFFE000  }
0xca: {  	[tilespmem:s4], [sflag:$0x8] =	stream.indirect.gather [hbm4b:s2+s18], $0x80, s30, s18, $0xb8;
	[tilespmem:$0x17400] =	vst v63  }
0xcb: {  	_ =	swait.ge [sflag:s19], $0x2000  }
0xcc: {  	s30 =	sadd.s32 $0x900, s28;
	[sflag:s19] =	ssyncset.done $0x0  }
.Ltmp0:
0xcd: {  	s4 =	simm.s32 $0x13400;
	[sflag:s19] =	ssyncadd.s32 $0xFFFFE000;
	(pc) =	sbr.rel @p0 .LBB2_2-.Ltmp0, $4  }
0xce: {  	[tilespmem:s5], [sflag:$0x9] =	stream.indirect.gather [hbm4b:s2+s18], $0x80, s30, s18, $0xb8;
	[tilespmem:$0x17400] =	vst v63  }
0xcf: {  	_ =	swait.ge [sflag:s21], $0x2000  }
0xd0: {  	[sflag:s21] =	ssyncset.done $0x0  }
0xd1: {  	s25 =	sadd.s32 $0x2800, s25;
	s28 =	sadd.s32 $0x980, s28;
	[sflag:s21] =	ssyncadd.s32 $0xFFFFE000  }
0xd2: {  	s5 =	simm.s32 $0x15400;
	s23 =	simm.s32 $0x1  }
0xd3: {  	[tilespmem:s5], [sflag:$0xA] =	stream.indirect.gather [hbm4b:s2+s18], $0x80, s28, s18, $0xb8;
	[tilespmem:$0x17400] =	vst v63  }
0xd4: {  	_ =	swait.ge [sflag:s23], $0x2000  }
0xd5: {  	[sflag:s23] =	ssyncset.done $0x0  }
0xd6: {  	s25 =	simm.s32 $0x2;
	s30 =	rddreg [dreg:$0x5];
	[sflag:s23] =	ssyncadd.s32 $0xFFFFE000  }
0xd7: {  	[hbm4b:s30+s3] =	stream.linear.scatter [tilespmem:s20], [sflag:$0xB], $0x2000, $0x38;
	[tilespmem:$0x17400] =	vst v63  }
0xd8: {  	_ =	swait.ge [sflag:s25], $0x2000  }
0xd9: {  	[sflag:s25] =	ssyncset.done $0x0  }
0xda: {  	s30 =	simm.s32 $0x3;
	s28 =	rddreg [dreg:$0x6];
	[sflag:s25] =	ssyncadd.s32 $0xFFFFE000  }
0xdb: {  	[hbm4b:s28+s3] =	stream.linear.scatter [tilespmem:s1], [sflag:$0xC], $0x2000, $0x38;
	[tilespmem:$0x17400] =	vst v63  }
0xdc: {  	_ =	swait.ge [sflag:s30], $0x2000  }
0xdd: {  	[sflag:s30] =	ssyncset.done $0x0  }
0xde: {  	s25 =	simm.s32 $0x4;
	s20 =	rddreg [dreg:$0x7];
	[sflag:s30] =	ssyncadd.s32 $0xFFFFE000  }
0xdf: {  	[hbm4b:s20+s3] =	stream.linear.scatter [tilespmem:s24], [sflag:$0xD], $0x2000, $0x38;
	[tilespmem:$0x17400] =	vst v63  }
0xe0: {  	_ =	swait.ge [sflag:s25], $0x2000  }
0xe1: {  	[sflag:s25] =	ssyncset.done $0x0  }
0xe2: {  	s28 =	rddreg [dreg:$0x8];
	[sflag:s25] =	ssyncadd.s32 $0xFFFFE000  }
0xe3: {  	[hbm4b:s28+s3] =	stream.linear.scatter [tilespmem:s29], [sflag:$0xE], $0x2000, $0x38;
	[tilespmem:$0x17400] =	vst v63  }
0xe4: {  	s29 =	simm.s32 $0x5  }
0xe5: {  	_ =	swait.ge [sflag:s29], $0x2000  }
0xe6: {  	[sflag:s29] =	ssyncset.done $0x0  }
0xe7: {  	s30 =	rddreg [dreg:$0x9];
	[sflag:s29] =	ssyncadd.s32 $0xFFFFE000  }
0xe8: {  	[hbm4b:s30+s3] =	stream.linear.scatter [tilespmem:s31], [sflag:$0xF], $0x2000, $0x38;
	[tilespmem:$0x17400] =	vst v63  }
0xe9: {  	s31 =	simm.s32 $0x6  }
0xea: {  	_ =	swait.ge [sflag:s31], $0x2000  }
0xeb: {  	[sflag:s31] =	ssyncset.done $0x0  }
0xec: {  	s20 =	rddreg [dreg:$0xa];
	[sflag:s31] =	ssyncadd.s32 $0xFFFFE000  }
0xed: {  	[hbm4b:s20+s3] =	stream.linear.scatter [tilespmem:s0], [sflag:$0x10], $0x2000, $0x38;
	[tilespmem:$0x17400] =	vst v63  }
0xee: {  	_ =	swait.ge [sflag:s6], $0x2000  }
0xef: {  	[sflag:s6] =	ssyncset.done $0x0  }
0xf0: {  	s24 =	rddreg [dreg:$0xb];
	[sflag:s6] =	ssyncadd.s32 $0xFFFFE000  }
0xf1: {  	[hbm4b:s24+s3] =	stream.linear.scatter [tilespmem:s22], [sflag:$0x11], $0x2000, $0x38;
	[tilespmem:$0x17400] =	vst v63  }
0xf2: {  	_ =	swait.ge [sflag:s7], $0x2000  }
0xf3: {  	[sflag:s7] =	ssyncset.done $0x0  }
0xf4: {  	s25 =	rddreg [dreg:$0xc];
	[sflag:s7] =	ssyncadd.s32 $0xFFFFE000  }
0xf5: {  	[hbm4b:s25+s3] =	stream.linear.scatter [tilespmem:s26], [sflag:$0x12], $0x2000, $0x38;
	[tilespmem:$0x17400] =	vst v63  }
0xf6: {  	_ =	swait.ge [sflag:s8], $0x2000  }
0xf7: {  	[sflag:s8] =	ssyncset.done $0x0  }
0xf8: {  	s28 =	rddreg [dreg:$0xd];
	[sflag:s8] =	ssyncadd.s32 $0xFFFFE000  }
0xf9: {  	[hbm4b:s28+s3] =	stream.linear.scatter [tilespmem:s4], [sflag:$0x13], $0x2000, $0x38;
	[tilespmem:$0x17400] =	vst v63  }
0xfa: {  	_ =	swait.ge [sflag:s9], $0x2000  }
0xfb: {  	[sflag:s9] =	ssyncset.done $0x0  }
0xfc: {  	s29 =	rddreg [dreg:$0xe];
	[sflag:s9] =	ssyncadd.s32 $0xFFFFE000  }
0xfd: {  	[hbm4b:s29+s3] =	stream.linear.scatter [tilespmem:s5], [sflag:$0x14], $0x2000, $0x38;
	[tilespmem:$0x17400] =	vst v63  }
0xfe: {  	_ =	swait.ge [sflag:s10], $0x2000  }
0xff: {  	[sflag:s10] =	ssyncset.done $0x0  }
0x100: {  	[sflag:s10] =	ssyncadd.s32 $0xFFFFE000  }
0x101: {  	_ =	swait.ge [sflag:s11], $0x2000  }
0x102: {  	[sflag:s11] =	ssyncset.done $0x0  }
0x103: {  	[sflag:s11] =	ssyncadd.s32 $0xFFFFE000  }
0x104: {  	_ =	swait.ge [sflag:s12], $0x2000  }
0x105: {  	[sflag:s12] =	ssyncset.done $0x0  }
0x106: {  	[sflag:s12] =	ssyncadd.s32 $0xFFFFE000  }
0x107: {  	_ =	swait.ge [sflag:s13], $0x2000  }
0x108: {  	[sflag:s13] =	ssyncset.done $0x0  }
0x109: {  	[sflag:s13] =	ssyncadd.s32 $0xFFFFE000  }
0x10a: {  	_ =	swait.ge [sflag:s14], $0x2000  }
0x10b: {  	[sflag:s14] =	ssyncset.done $0x0  }
0x10c: {  	[sflag:s14] =	ssyncadd.s32 $0xFFFFE000  }
0x10d: {  	_ =	swait.ge [sflag:s15], $0x2000  }
0x10e: {  	[sflag:s15] =	ssyncset.done $0x0  }
0x10f: {  	[sflag:s15] =	ssyncadd.s32 $0xFFFFE000  }
0x110: {  	_ =	swait.ge [sflag:s17], $0x2000  }
0x111: {  	[sflag:s17] =	ssyncset.done $0x0  }
0x112: {  	[sflag:s17] =	ssyncadd.s32 $0xFFFFE000  }
0x113: {  	_ =	swait.ge [sflag:s16], $0x2000  }
0x114: {  	[sflag:s16] =	ssyncset.done $0x0  }
0x115: {  	[sflag:s16] =	ssyncadd.s32 $0xFFFFE000  }
0x116: {  	_ =	swait.ge [sflag:s19], $0x2000  }
0x117: {  	[sflag:s19] =	ssyncset.done $0x0  }
0x118: {  	[sflag:s19] =	ssyncadd.s32 $0xFFFFE000  }
0x119: {  	_ =	swait.ge [sflag:s21], $0x2000  }
0x11a: {  	s30 =	rddreg [dreg:$0x11]  }
0x11b: {  	s31 =	rddreg [dreg:$0xf];
	s0 =	sadd.s32 $0x1, s30  }
0x11c: {  	p0 =	sne.s32 s0, s31  }
.Ltmp1:
0x11d: {  	_ = 	snop;
	(pc) =	sbr.rel @p0 .LBB2_1-.Ltmp1, $3  }
0x11e: {  	_ =	sdelay $0x1  }
0x11f: {  	[sflag:s21] =	ssyncset.done $0x0  }
0x120: {  	[sflag:s21] =	ssyncadd.s32 $0xFFFFE000  }
0x121: {  	_ =	sfence.sel $0x180000  }
0x122: {  	[bflag:$0x0] =	sbarrier.arrive $0xFFFF  }
0x123: {  	_ =	strace $0x90000047  }
0x124: {  	s0 =	stileid.u32;
	[bflag:$0x2] =	sbarrier.arrive $0xFFFF  }
0x125: {  	p0 =	sne.s32 s0, $0x0;
	s0 =	rddreg [dreg:$0x3]  }
0x126: {  	s0 =	sadd.s32 @!p0 $0x100000, s0  }
0x127: {  	[sflag:s0] =	ssyncadd.tile.s32 @!p0 $0x1;
	_ =	shalt  }
.Lfunc_end2:
_tile_overlayer_lowered:
.L_overlay_start_2:
0x128: {  	(tag) =	ssettag $0x2  }
0x129: {  	s0 =	rddreg [dreg:$0x0];
	s2 =	stileid.u32  }
0x12a: {  	s1 =	rddreg [dreg:$0x1];
	p0 =	sne.s32 s2, $0x0  }
0x12b: {  	s3 =	rddreg [dreg:$0x2];
	[bflag:$0x3] =	sbarrier.arrive $0xFFFF;
	s2 =	simm.s32 @!p0 $0x1C15  }
0x12c: {  	[timem:s3], [sflag:s2] =	dma.local @!p0 [hbm:s0], s1  }
0x12d: {  	s0 =	simm.s32 @!p0 $0x15  }
0x12e: {  	_ =	swait.ge @!p0 [sflag:s0], s1  }
0x12f: {  	s1 =	ssub.s32 @!p0 $0x0, s1;
	[sflag:s0] =	ssyncset.done @!p0 $0x0  }
0x130: {  	[sflag:s0] =	ssyncadd.s32 @!p0 s1  }
0x131: {  	[bflag:$0x3] =	sbarrier.arrive $0xFFFF  }
0x132: {  	_ =	shalt  }

</sc_bundles>
